<compile_context>
chip_gen: v7x
topology: tpu7x:2x2x1
jax: 0.10.2.dev20260603
libtpu: 0.0.44.dev20260713+nightly
codegen_flags: <defaults>
</compile_context>

<pallas_src>
import functools

import jax
import jax.numpy as jnp
from jax import lax
from jax.experimental import pallas as pl
from jax.experimental.pallas import tpu as pltpu
from jax.experimental.pallas import tpu_sc as plsc

N_CLS = 1000
CTX_LEN = 77
VOCAB = 49408
D = 768
N_CTX = 8
LANES = 128
DB = D // LANES
CPB = 40
KC = N_CLS // CPB
UNIT = CPB * DB
HALF = UNIT // 2
UNITS = CTX_LEN * KC
NW = 32
UPW = (UNITS + NW - 1) // NW
UNITS_PAD = NW * UPW
CBLK = 8 * DB
NBUF = 3

_mesh = plsc.VectorSubcoreMesh(core_axis_name="c", subcore_axis_name="s")


@functools.partial(
    pl.kernel,
    out_type=jax.ShapeDtypeStruct((CTX_LEN * KC * UNIT, LANES), jnp.float32),
    mesh=_mesh,
    scratch_types=[
        pltpu.VMEM((UPW, 2, HALF), jnp.int32),
        pltpu.VMEM((NBUF, UNIT, LANES), jnp.float32),
        pltpu.SemaphoreType.DMA,
        pltpu.SemaphoreType.DMA,
    ],
    compiler_params=pltpu.CompilerParams(use_tc_tiling_on_sc=False),
)
def _prompt_gather(table_c, ctx_c, gidx, out, gidx_v, bufs, gsem, wsem):
    w = lax.axis_index("s") * 2 + lax.axis_index("c")
    n_u = UNITS // NW + jnp.where(w < UNITS % NW, 1, 0)
    pltpu.sync_copy(gidx.at[pl.ds(w * UPW, UPW)], gidx_v)

    def unit_u(j):
        return j * NW + w

    def unit_t(j):
        return unit_u(j) // KC

    def is_ctx(t):
        return (t >= 1) & (t <= 1 + N_CTX - 1)

    def start_gathers(j):
        b = j % NBUF
        t = unit_t(j)

        @pl.when(is_ctx(t))
        def _():
            pltpu.async_copy(
                ctx_c.at[gidx_v.at[j, 0, pl.ds(0, CBLK)]],
                bufs.at[b, pl.ds(0, CBLK)], gsem)

        @pl.when(~is_ctx(t))
        def _():
            pltpu.async_copy(
                table_c.at[gidx_v.at[j, 0]], bufs.at[b, pl.ds(0, HALF)], gsem)
            pltpu.async_copy(
                table_c.at[gidx_v.at[j, 1]], bufs.at[b, pl.ds(HALF, HALF)], gsem)

    def wait_gathers(j):
        b = j % NBUF
        t = unit_t(j)

        @pl.when(is_ctx(t))
        def _():
            pltpu.make_async_copy(
                ctx_c.at[gidx_v.at[j, 0, pl.ds(0, CBLK)]],
                bufs.at[b, pl.ds(0, CBLK)], gsem
            ).wait()

        @pl.when(~is_ctx(t))
        def _():
            pltpu.make_async_copy(
                table_c.at[gidx_v.at[j, 0]], bufs.at[b, pl.ds(0, HALF)], gsem
            ).wait()
            pltpu.make_async_copy(
                table_c.at[gidx_v.at[j, 1]], bufs.at[b, pl.ds(HALF, HALF)], gsem
            ).wait()

    def wait_write(j):
        pltpu.make_async_copy(
            bufs.at[j % NBUF], out.at[pl.ds(unit_u(j) * UNIT, UNIT)], wsem
        ).wait()

    def body(j, carry):
        @pl.when(j < n_u)
        def _():
            @pl.when(j == 0)
            def _():
                start_gathers(0)

                @pl.when(n_u > 1)
                def _():
                    start_gathers(1)

            wait_gathers(j)

            @pl.when(j + 2 < n_u)
            def _():
                @pl.when(j + 2 >= NBUF)
                def _():
                    wait_write(j + 2 - NBUF)

                start_gathers(j + 2)

            @pl.when(is_ctx(unit_t(j)))
            def _():
                for m in range(UNIT // CBLK):
                    pltpu.async_copy(
                        bufs.at[j % NBUF, pl.ds(0, CBLK)],
                        out.at[pl.ds(unit_u(j) * UNIT + m * CBLK, CBLK)],
                        wsem,
                    )

            @pl.when(~is_ctx(unit_t(j)))
            def _():
                pltpu.async_copy(
                    bufs.at[j % NBUF],
                    out.at[pl.ds(unit_u(j) * UNIT, UNIT)],
                    wsem,
                )

        return carry

    lax.fori_loop(0, UPW, body, 0)

    def drain(m, carry):
        j = n_u - NBUF + m

        @pl.when(j >= 0)
        def _():
            wait_write(j)

        return carry

    lax.fori_loop(0, NBUF, drain, 0)


def kernel(token_embedding_weight, ctx, tokenized_prompts):
    table_c = (
        token_embedding_weight.reshape(VOCAB // 8, 8, DB, LANES)
        .transpose(0, 2, 1, 3)
        .reshape(VOCAB * DB, LANES)
    )
    ctx_c = (
        ctx.reshape(1, N_CTX, DB, LANES)
        .transpose(0, 2, 1, 3)
        .reshape(N_CTX * DB, LANES)
    )

    rt = tokenized_prompts.T.reshape(CTX_LEN, KC, CPB // 8, 8)
    base = (rt // 8) * (8 * DB) + (rt % 8)
    dmul = (jnp.arange(DB, dtype=jnp.int32) * 8)[None, None, None, :, None]
    gidx = (base[:, :, :, None, :] + dmul).reshape(CTX_LEN, KC, UNIT)
    cpat = (
        jnp.arange(N_CTX, dtype=jnp.int32)[:, None, None, None]
        + (jnp.arange(DB, dtype=jnp.int32) * 8)[None, None, :, None]
        + jnp.zeros((N_CTX, CPB // 8, DB, 8), jnp.int32)
    ).reshape(N_CTX, UNIT)
    gidx = gidx.at[1:1 + N_CTX].set(cpat[:, None, :])
    gidx = gidx.reshape(UNITS, 2, HALF)
    gidx = jnp.pad(gidx, ((0, UNITS_PAD - UNITS), (0, 0), (0, 0)))
    gidx = gidx.reshape(UPW, NW, 2, HALF).transpose(1, 0, 2, 3)
    gidx = gidx.reshape(UNITS_PAD, 2, HALF)

    out = _prompt_gather(table_c, ctx_c, gidx)
    return (
        out.reshape(CTX_LEN, N_CLS // 8, DB, 8, LANES)
        .transpose(1, 3, 0, 2, 4)
        .reshape(N_CLS, CTX_LEN, D)
    )

# --- scband reference (transcript-rebuilt; emitter-appended) ---
"""Pipeline reference for scband-prompt-learner-6734508720718 (READ-ONLY COPY).

The authoritative reference and input builder live on the scoring server;
editing this copy changes nothing except your own understanding.
"""

import jax, jax.numpy as jnp
import numpy as np

N_CLS = 1000
CTX_LEN = 77
VOCAB = 49408
D = 768
N_CTX = 8


def setup_inputs(seed: int = 0) -> dict:
    key = jax.random.key(seed)
    k1, k2, k3 = jax.random.split(key, 3)
    tokenized_prompts = jax.random.randint(k1, (N_CLS, CTX_LEN), 0, VOCAB, dtype=jnp.int32)
    token_embedding_weight = jax.random.normal(k2, (VOCAB, D), dtype=jnp.float32) * 0.02
    ctx = jax.random.uniform(k3, (N_CTX, D), minval=-0.02, maxval=0.02, dtype=jnp.float32)
    return {
        "token_embedding_weight": token_embedding_weight,
        "ctx": ctx,
        "tokenized_prompts": tokenized_prompts,
    }


def reference(token_embedding_weight, ctx, tokenized_prompts):
    n_cls = tokenized_prompts.shape[0]
    n_ctx = ctx.shape[0]
    d = ctx.shape[1]
    # embedding lookup: token_embedding(self.tokenized_prompts)
    token_embeds = jnp.take(token_embedding_weight, tokenized_prompts, axis=0)  # [n_cls, 77, d]
    prefix = token_embeds[:, :1, :]          # SOS token embedding
    suffix = token_embeds[:, 1 + n_ctx:, :]  # class tokens + EOS + padding
    ctx_e = jnp.broadcast_to(ctx[None, :, :], (n_cls, n_ctx, d))
    prompts_embedded = jnp.concatenate([prefix, ctx_e, suffix], axis=1)  # [n_cls, 77, d]
    return prompts_embedded

if __name__ == "__main__":
    import jax
    _d = setup_inputs()
    print(jax.jit(kernel)(*tuple(_d.values())))

</pallas_src>

<mosaic_0001>
#map = affine_map<(d0, d1) -> (0, 0)>
#map1 = affine_map<(d0, d1) -> (0, 0, 0)>
module attributes {stable_mosaic.version = 14 : i64} {
  func.func @_prompt_gather(%arg0: i32, %arg1: i32, %arg2: memref<296448x128xf32, #tpu.memory_space<hbm>>, %arg3: memref<48x128xf32, #tpu.memory_space<hbm>>, %arg4: memref<1952x2x120xi32, #tpu.memory_space<hbm>>, %arg5: memref<462000x128xf32, #tpu.memory_space<hbm>>, %arg6: memref<61x2x120xi32, #tpu.memory_space<vmem>>, %arg7: memref<3x240x128xf32, #tpu.memory_space<vmem>>, %arg8: memref<!tpu.dma_semaphore, #tpu.memory_space<semaphore_mem>>, %arg9: memref<!tpu.dma_semaphore, #tpu.memory_space<semaphore_mem>>) attributes {dimension_semantics = [#tpu.dimension_semantics<core_parallel>, #tpu.dimension_semantics<subcore_parallel>], iteration_bounds = array<i64: 2, 16>, scalar_prefetch = 0 : i64, scratch_operands = 4 : i64, tpu.core_type = #tpu.core_type<sc_vector_subcore>, window_params = [{transform_indices = #map}, {transform_indices = #map}, {transform_indices = #map1}, {transform_indices = #map}]} {
    %mul3A = arith.constant 2 : i32
    %mul3A_0 = arith.muli %arg1, %mul3A : i32
    %add3A = arith.addi %mul3A_0, %arg0 : i32
    %lt3A = arith.constant 5 : i32
    %lt3A_1 = arith.cmpi slt, %add3A, %lt3A : i32
    %jit3A = arith.constant 1 : i32
    %jit3A_2 = arith.constant 0 : i32
    %select_n3A = arith.select %lt3A_1, %jit3A, %jit3A_2 : i32
    %add3A_3 = arith.constant 60 : i32
    %add3A_4 = arith.addi %add3A_3, %select_n3A : i32
    %mul3A_5 = arith.constant 61 : i32
    %mul3A_6 = arith.muli %add3A, %mul3A_5 : i32
    "tpu.region"() ({
      %run_scoped3A = tpu.sem_alloc : memref<!tpu.dma_semaphore, #tpu.memory_space<semaphore_mem>>
      %dma_start3A = arith.constant 0 : i32
      %dma_start3A_18 = arith.constant 0 : i32
      %dma_start3A_19 = tpu.memref_slice %arg4[%mul3A_6, %dma_start3A, %dma_start3A_18] : memref<1952x2x120xi32, #tpu.memory_space<hbm>> -> memref<61x2x120xi32, #tpu.memory_space<hbm>>
      %dma_start3A_20 = arith.constant 0 : i32
      %dma_start3A_21 = arith.constant 0 : i32
      %dma_start3A_22 = tpu.memref_slice %arg4[%mul3A_6, %dma_start3A_20, %dma_start3A_21] : memref<1952x2x120xi32, #tpu.memory_space<hbm>> -> memref<61x2x120xi32, #tpu.memory_space<hbm>>
      tpu.enqueue_dma source(%dma_start3A_22 : memref<61x2x120xi32, #tpu.memory_space<hbm>>) target(%arg6 : memref<61x2x120xi32, #tpu.memory_space<vmem>>) target_semaphore(%run_scoped3A : memref<!tpu.dma_semaphore, #tpu.memory_space<semaphore_mem>>)
      %dma_wait3A = arith.constant 0 : i32
      %dma_wait3A_23 = arith.constant 0 : i32
      %dma_wait3A_24 = tpu.memref_slice %arg4[%mul3A_6, %dma_wait3A, %dma_wait3A_23] : memref<1952x2x120xi32, #tpu.memory_space<hbm>> -> memref<61x2x120xi32, #tpu.memory_space<hbm>>
      %dma_wait3A_25 = arith.constant 0 : i32
      %dma_wait3A_26 = arith.constant 0 : i32
      %dma_wait3A_27 = tpu.memref_slice %arg4[%mul3A_6, %dma_wait3A_25, %dma_wait3A_26] : memref<1952x2x120xi32, #tpu.memory_space<hbm>> -> memref<61x2x120xi32, #tpu.memory_space<hbm>>
      tpu.wait_dma2 semaphore(%run_scoped3A : memref<!tpu.dma_semaphore, #tpu.memory_space<semaphore_mem>>) src(%dma_wait3A_27 : memref<61x2x120xi32, #tpu.memory_space<hbm>>) dst(%arg6 : memref<61x2x120xi32, #tpu.memory_space<vmem>>)
      tpu.yield
    }) : () -> ()
    %scan3A = arith.constant 0 : i32
    %scan3A_7 = arith.constant 0 : i32
    %scan3A_8 = arith.constant 61 : i32
    %scan3A_9 = arith.addi %scan3A_7, %scan3A_8 : i32
    %scan3A_10 = arith.constant 1 : i32
    scf.for %scan3A_18 = %scan3A_7 to %scan3A_9 step %scan3A_10  : i32 {
      %lt3A_19 = arith.cmpi slt, %scan3A_18, %add3A_4 : i32
      %convert_element_type3A = arith.extui %lt3A_19 : i1 to i32
      %cond3A = arith.constant 0 : i32
      %cond3A_20 = arith.cmpi ne, %convert_element_type3A, %cond3A : i32
      scf.if %cond3A_20 {
        %eq3A = arith.constant 0 : i32
        %eq3A_21 = arith.cmpi eq, %scan3A_18, %eq3A : i32
        %convert_element_type3A_22 = arith.extui %eq3A_21 : i1 to i32
        %cond3A_23 = arith.constant 0 : i32
        %cond3A_24 = arith.cmpi ne, %convert_element_type3A_22, %cond3A_23 : i32
        scf.if %cond3A_24 {
          %add3A_155 = arith.constant 0 : i32
          %add3A_156 = arith.addi %add3A_155, %add3A : i32
          %jit3A_157 = arith.constant 25 : i32
          %div3A_158 = arith.divsi %add3A_156, %jit3A_157 : i32
          %sign3A_159 = arith.constant 0 : i32
          %sign3A_160 = arith.cmpi sgt, %add3A_156, %sign3A_159 : i32
          %sign3A_161 = arith.extui %sign3A_160 : i1 to i32
          %sign3A_162 = arith.constant 0 : i32
          %sign3A_163 = arith.cmpi slt, %add3A_156, %sign3A_162 : i32
          %sign3A_164 = arith.extui %sign3A_163 : i1 to i32
          %sign3A_165 = arith.subi %sign3A_161, %sign3A_164 : i32
          %sign3A_166 = arith.constant 0 : i32
          %sign3A_167 = arith.cmpi sgt, %jit3A_157, %sign3A_166 : i32
          %sign3A_168 = arith.extui %sign3A_167 : i1 to i32
          %sign3A_169 = arith.constant 0 : i32
          %sign3A_170 = arith.cmpi slt, %jit3A_157, %sign3A_169 : i32
          %sign3A_171 = arith.extui %sign3A_170 : i1 to i32
          %sign3A_172 = arith.subi %sign3A_168, %sign3A_171 : i32
          %ne3A_173 = arith.cmpi ne, %sign3A_165, %sign3A_172 : i32
          %rem3A_174 = arith.remsi %add3A_156, %jit3A_157 : i32
          %ne3A_175 = arith.constant 0 : i32
          %ne3A_176 = arith.cmpi ne, %rem3A_174, %ne3A_175 : i32
          %and3A_177 = arith.andi %ne3A_173, %ne3A_176 : i1
          %sub3A_178 = arith.constant 1 : i32
          %sub3A_179 = arith.subi %div3A_158, %sub3A_178 : i32
          %select_n3A_180 = arith.select %and3A_177, %sub3A_179, %div3A_158 : i32
          %ge3A_181 = arith.constant 1 : i32
          %ge3A_182 = arith.cmpi sge, %select_n3A_180, %ge3A_181 : i32
          %le3A_183 = arith.constant 8 : i32
          %le3A_184 = arith.cmpi sle, %select_n3A_180, %le3A_183 : i32
          %and3A_185 = arith.andi %ge3A_182, %le3A_184 : i1
          %convert_element_type3A_186 = arith.extui %and3A_185 : i1 to i32
          %cond3A_187 = arith.constant 0 : i32
          %cond3A_188 = arith.cmpi ne, %convert_element_type3A_186, %cond3A_187 : i32
          scf.if %cond3A_188 {
            %dma_start3A = arith.constant 0 : i32
            %dma_start3A_203 = arith.constant 0 : i32
            %dma_start3A_204 = arith.constant 0 : i32
            %dma_start3A_205 = arith.constant 0 : i32
            %dma_start3A_206 = arith.constant 0 : i32
            %dma_start3A_207 = tpu.memref_slice %arg7[%dma_start3A_204, %dma_start3A_205, %dma_start3A_206] : memref<3x240x128xf32, #tpu.memory_space<vmem>> -> memref<1x48x128xf32, #tpu.memory_space<vmem>>
            %dma_start3A_208 = tpu.memref_squeeze %dma_start3A_207 : memref<1x48x128xf32, #tpu.memory_space<vmem>> -> memref<48x128xf32, #tpu.memory_space<vmem>>
            %dma_start3A_209 = arith.constant 0 : i32
            %dma_start3A_210 = tpu.memref_slice %arg6[%dma_start3A, %dma_start3A_203, %dma_start3A_209] : memref<61x2x120xi32, #tpu.memory_space<vmem>> -> memref<1x1x48xi32, #tpu.memory_space<vmem>>
            %dma_start3A_211 = tpu.memref_squeeze %dma_start3A_210 : memref<1x1x48xi32, #tpu.memory_space<vmem>> -> memref<48xi32, #tpu.memory_space<vmem>>
            %dma_start3A_212 = arith.constant 0 : i32
            %dma_start3A_213 = arith.constant 0 : i32
            %dma_start3A_214 = tpu.memref_slice %arg3[%dma_start3A_212, %dma_start3A_213] : memref<48x128xf32, #tpu.memory_space<hbm>> -> memref<48x128xf32, #tpu.memory_space<hbm>>
            tpu.enqueue_indirect_dma source(%dma_start3A_214 : memref<48x128xf32, #tpu.memory_space<hbm>>) target(%dma_start3A_208 : memref<48x128xf32, #tpu.memory_space<vmem>>) offsets(%dma_start3A_211 : memref<48xi32, #tpu.memory_space<vmem>>) semaphore(%arg8 : memref<!tpu.dma_semaphore, #tpu.memory_space<semaphore_mem>>)
          } else {
          }
          %ge3A_189 = arith.constant 1 : i32
          %ge3A_190 = arith.cmpi sge, %select_n3A_180, %ge3A_189 : i32
          %le3A_191 = arith.constant 8 : i32
          %le3A_192 = arith.cmpi sle, %select_n3A_180, %le3A_191 : i32
          %and3A_193 = arith.andi %ge3A_190, %le3A_192 : i1
          %not3A_194 = arith.constant true
          %not3A_195 = arith.xori %and3A_193, %not3A_194 : i1
          %convert_element_type3A_196 = arith.extui %not3A_195 : i1 to i32
          %cond3A_197 = arith.constant 0 : i32
          %cond3A_198 = arith.cmpi ne, %convert_element_type3A_196, %cond3A_197 : i32
          scf.if %cond3A_198 {
            %dma_start3A = arith.constant 0 : i32
            %dma_start3A_203 = arith.constant 0 : i32
            %dma_start3A_204 = arith.constant 0 : i32
            %dma_start3A_205 = arith.constant 0 : i32
            %dma_start3A_206 = arith.constant 0 : i32
            %dma_start3A_207 = tpu.memref_slice %arg7[%dma_start3A_204, %dma_start3A_205, %dma_start3A_206] : memref<3x240x128xf32, #tpu.memory_space<vmem>> -> memref<1x120x128xf32, #tpu.memory_space<vmem>>
            %dma_start3A_208 = tpu.memref_squeeze %dma_start3A_207 : memref<1x120x128xf32, #tpu.memory_space<vmem>> -> memref<120x128xf32, #tpu.memory_space<vmem>>
            %dma_start3A_209 = arith.constant 0 : i32
            %dma_start3A_210 = tpu.memref_slice %arg6[%dma_start3A, %dma_start3A_203, %dma_start3A_209] : memref<61x2x120xi32, #tpu.memory_space<vmem>> -> memref<1x1x120xi32, #tpu.memory_space<vmem>>
            %dma_start3A_211 = tpu.memref_squeeze %dma_start3A_210 : memref<1x1x120xi32, #tpu.memory_space<vmem>> -> memref<120xi32, #tpu.memory_space<vmem>>
            %dma_start3A_212 = arith.constant 0 : i32
            %dma_start3A_213 = arith.constant 0 : i32
            %dma_start3A_214 = tpu.memref_slice %arg2[%dma_start3A_212, %dma_start3A_213] : memref<296448x128xf32, #tpu.memory_space<hbm>> -> memref<296448x128xf32, #tpu.memory_space<hbm>>
            tpu.enqueue_indirect_dma source(%dma_start3A_214 : memref<296448x128xf32, #tpu.memory_space<hbm>>) target(%dma_start3A_208 : memref<120x128xf32, #tpu.memory_space<vmem>>) offsets(%dma_start3A_211 : memref<120xi32, #tpu.memory_space<vmem>>) semaphore(%arg8 : memref<!tpu.dma_semaphore, #tpu.memory_space<semaphore_mem>>)
            %dma_start3A_215 = arith.constant 0 : i32
            %dma_start3A_216 = arith.constant 1 : i32
            %dma_start3A_217 = arith.constant 0 : i32
            %dma_start3A_218 = arith.constant 120 : i32
            %dma_start3A_219 = arith.constant 0 : i32
            %dma_start3A_220 = tpu.memref_slice %arg7[%dma_start3A_217, %dma_start3A_218, %dma_start3A_219] : memref<3x240x128xf32, #tpu.memory_space<vmem>> -> memref<1x120x128xf32, #tpu.memory_space<vmem>>
            %dma_start3A_221 = tpu.memref_squeeze %dma_start3A_220 : memref<1x120x128xf32, #tpu.memory_space<vmem>> -> memref<120x128xf32, #tpu.memory_space<vmem>>
            %dma_start3A_222 = arith.constant 0 : i32
            %dma_start3A_223 = tpu.memref_slice %arg6[%dma_start3A_215, %dma_start3A_216, %dma_start3A_222] : memref<61x2x120xi32, #tpu.memory_space<vmem>> -> memref<1x1x120xi32, #tpu.memory_space<vmem>>
            %dma_start3A_224 = tpu.memref_squeeze %dma_start3A_223 : memref<1x1x120xi32, #tpu.memory_space<vmem>> -> memref<120xi32, #tpu.memory_space<vmem>>
            %dma_start3A_225 = arith.constant 0 : i32
            %dma_start3A_226 = arith.constant 0 : i32
            %dma_start3A_227 = tpu.memref_slice %arg2[%dma_start3A_225, %dma_start3A_226] : memref<296448x128xf32, #tpu.memory_space<hbm>> -> memref<296448x128xf32, #tpu.memory_space<hbm>>
            tpu.enqueue_indirect_dma source(%dma_start3A_227 : memref<296448x128xf32, #tpu.memory_space<hbm>>) target(%dma_start3A_221 : memref<120x128xf32, #tpu.memory_space<vmem>>) offsets(%dma_start3A_224 : memref<120xi32, #tpu.memory_space<vmem>>) semaphore(%arg8 : memref<!tpu.dma_semaphore, #tpu.memory_space<semaphore_mem>>)
          } else {
          }
          %gt3A = arith.constant 1 : i32
          %gt3A_199 = arith.cmpi sgt, %add3A_4, %gt3A : i32
          %convert_element_type3A_200 = arith.extui %gt3A_199 : i1 to i32
          %cond3A_201 = arith.constant 0 : i32
          %cond3A_202 = arith.cmpi ne, %convert_element_type3A_200, %cond3A_201 : i32
          scf.if %cond3A_202 {
            %add3A_203 = arith.constant 32 : i32
            %add3A_204 = arith.addi %add3A_203, %add3A : i32
            %jit3A_205 = arith.constant 25 : i32
            %div3A_206 = arith.divsi %add3A_204, %jit3A_205 : i32
            %sign3A_207 = arith.constant 0 : i32
            %sign3A_208 = arith.cmpi sgt, %add3A_204, %sign3A_207 : i32
            %sign3A_209 = arith.extui %sign3A_208 : i1 to i32
            %sign3A_210 = arith.constant 0 : i32
            %sign3A_211 = arith.cmpi slt, %add3A_204, %sign3A_210 : i32
            %sign3A_212 = arith.extui %sign3A_211 : i1 to i32
            %sign3A_213 = arith.subi %sign3A_209, %sign3A_212 : i32
            %sign3A_214 = arith.constant 0 : i32
            %sign3A_215 = arith.cmpi sgt, %jit3A_205, %sign3A_214 : i32
            %sign3A_216 = arith.extui %sign3A_215 : i1 to i32
            %sign3A_217 = arith.constant 0 : i32
            %sign3A_218 = arith.cmpi slt, %jit3A_205, %sign3A_217 : i32
            %sign3A_219 = arith.extui %sign3A_218 : i1 to i32
            %sign3A_220 = arith.subi %sign3A_216, %sign3A_219 : i32
            %ne3A_221 = arith.cmpi ne, %sign3A_213, %sign3A_220 : i32
            %rem3A_222 = arith.remsi %add3A_204, %jit3A_205 : i32
            %ne3A_223 = arith.constant 0 : i32
            %ne3A_224 = arith.cmpi ne, %rem3A_222, %ne3A_223 : i32
            %and3A_225 = arith.andi %ne3A_221, %ne3A_224 : i1
            %sub3A_226 = arith.constant 1 : i32
            %sub3A_227 = arith.subi %div3A_206, %sub3A_226 : i32
            %select_n3A_228 = arith.select %and3A_225, %sub3A_227, %div3A_206 : i32
            %ge3A_229 = arith.constant 1 : i32
            %ge3A_230 = arith.cmpi sge, %select_n3A_228, %ge3A_229 : i32
            %le3A_231 = arith.constant 8 : i32
            %le3A_232 = arith.cmpi sle, %select_n3A_228, %le3A_231 : i32
            %and3A_233 = arith.andi %ge3A_230, %le3A_232 : i1
            %convert_element_type3A_234 = arith.extui %and3A_233 : i1 to i32
            %cond3A_235 = arith.constant 0 : i32
            %cond3A_236 = arith.cmpi ne, %convert_element_type3A_234, %cond3A_235 : i32
            scf.if %cond3A_236 {
              %dma_start3A = arith.constant 1 : i32
              %dma_start3A_247 = arith.constant 0 : i32
              %dma_start3A_248 = arith.constant 1 : i32
              %dma_start3A_249 = arith.constant 0 : i32
              %dma_start3A_250 = arith.constant 0 : i32
              %dma_start3A_251 = tpu.memref_slice %arg7[%dma_start3A_248, %dma_start3A_249, %dma_start3A_250] : memref<3x240x128xf32, #tpu.memory_space<vmem>> -> memref<1x48x128xf32, #tpu.memory_space<vmem>>
              %dma_start3A_252 = tpu.memref_squeeze %dma_start3A_251 : memref<1x48x128xf32, #tpu.memory_space<vmem>> -> memref<48x128xf32, #tpu.memory_space<vmem>>
              %dma_start3A_253 = arith.constant 0 : i32
              %dma_start3A_254 = tpu.memref_slice %arg6[%dma_start3A, %dma_start3A_247, %dma_start3A_253] : memref<61x2x120xi32, #tpu.memory_space<vmem>> -> memref<1x1x48xi32, #tpu.memory_space<vmem>>
              %dma_start3A_255 = tpu.memref_squeeze %dma_start3A_254 : memref<1x1x48xi32, #tpu.memory_space<vmem>> -> memref<48xi32, #tpu.memory_space<vmem>>
              %dma_start3A_256 = arith.constant 0 : i32
              %dma_start3A_257 = arith.constant 0 : i32
              %dma_start3A_258 = tpu.memref_slice %arg3[%dma_start3A_256, %dma_start3A_257] : memref<48x128xf32, #tpu.memory_space<hbm>> -> memref<48x128xf32, #tpu.memory_space<hbm>>
              tpu.enqueue_indirect_dma source(%dma_start3A_258 : memref<48x128xf32, #tpu.memory_space<hbm>>) target(%dma_start3A_252 : memref<48x128xf32, #tpu.memory_space<vmem>>) offsets(%dma_start3A_255 : memref<48xi32, #tpu.memory_space<vmem>>) semaphore(%arg8 : memref<!tpu.dma_semaphore, #tpu.memory_space<semaphore_mem>>)
            } else {
            }
            %ge3A_237 = arith.constant 1 : i32
            %ge3A_238 = arith.cmpi sge, %select_n3A_228, %ge3A_237 : i32
            %le3A_239 = arith.constant 8 : i32
            %le3A_240 = arith.cmpi sle, %select_n3A_228, %le3A_239 : i32
            %and3A_241 = arith.andi %ge3A_238, %le3A_240 : i1
            %not3A_242 = arith.constant true
            %not3A_243 = arith.xori %and3A_241, %not3A_242 : i1
            %convert_element_type3A_244 = arith.extui %not3A_243 : i1 to i32
            %cond3A_245 = arith.constant 0 : i32
            %cond3A_246 = arith.cmpi ne, %convert_element_type3A_244, %cond3A_245 : i32
            scf.if %cond3A_246 {
              %dma_start3A = arith.constant 1 : i32
              %dma_start3A_247 = arith.constant 0 : i32
              %dma_start3A_248 = arith.constant 1 : i32
              %dma_start3A_249 = arith.constant 0 : i32
              %dma_start3A_250 = arith.constant 0 : i32
              %dma_start3A_251 = tpu.memref_slice %arg7[%dma_start3A_248, %dma_start3A_249, %dma_start3A_250] : memref<3x240x128xf32, #tpu.memory_space<vmem>> -> memref<1x120x128xf32, #tpu.memory_space<vmem>>
              %dma_start3A_252 = tpu.memref_squeeze %dma_start3A_251 : memref<1x120x128xf32, #tpu.memory_space<vmem>> -> memref<120x128xf32, #tpu.memory_space<vmem>>
              %dma_start3A_253 = arith.constant 0 : i32
              %dma_start3A_254 = tpu.memref_slice %arg6[%dma_start3A, %dma_start3A_247, %dma_start3A_253] : memref<61x2x120xi32, #tpu.memory_space<vmem>> -> memref<1x1x120xi32, #tpu.memory_space<vmem>>
              %dma_start3A_255 = tpu.memref_squeeze %dma_start3A_254 : memref<1x1x120xi32, #tpu.memory_space<vmem>> -> memref<120xi32, #tpu.memory_space<vmem>>
              %dma_start3A_256 = arith.constant 0 : i32
              %dma_start3A_257 = arith.constant 0 : i32
              %dma_start3A_258 = tpu.memref_slice %arg2[%dma_start3A_256, %dma_start3A_257] : memref<296448x128xf32, #tpu.memory_space<hbm>> -> memref<296448x128xf32, #tpu.memory_space<hbm>>
              tpu.enqueue_indirect_dma source(%dma_start3A_258 : memref<296448x128xf32, #tpu.memory_space<hbm>>) target(%dma_start3A_252 : memref<120x128xf32, #tpu.memory_space<vmem>>) offsets(%dma_start3A_255 : memref<120xi32, #tpu.memory_space<vmem>>) semaphore(%arg8 : memref<!tpu.dma_semaphore, #tpu.memory_space<semaphore_mem>>)
              %dma_start3A_259 = arith.constant 1 : i32
              %dma_start3A_260 = arith.constant 1 : i32
              %dma_start3A_261 = arith.constant 1 : i32
              %dma_start3A_262 = arith.constant 120 : i32
              %dma_start3A_263 = arith.constant 0 : i32
              %dma_start3A_264 = tpu.memref_slice %arg7[%dma_start3A_261, %dma_start3A_262, %dma_start3A_263] : memref<3x240x128xf32, #tpu.memory_space<vmem>> -> memref<1x120x128xf32, #tpu.memory_space<vmem>>
              %dma_start3A_265 = tpu.memref_squeeze %dma_start3A_264 : memref<1x120x128xf32, #tpu.memory_space<vmem>> -> memref<120x128xf32, #tpu.memory_space<vmem>>
              %dma_start3A_266 = arith.constant 0 : i32
              %dma_start3A_267 = tpu.memref_slice %arg6[%dma_start3A_259, %dma_start3A_260, %dma_start3A_266] : memref<61x2x120xi32, #tpu.memory_space<vmem>> -> memref<1x1x120xi32, #tpu.memory_space<vmem>>
              %dma_start3A_268 = tpu.memref_squeeze %dma_start3A_267 : memref<1x1x120xi32, #tpu.memory_space<vmem>> -> memref<120xi32, #tpu.memory_space<vmem>>
              %dma_start3A_269 = arith.constant 0 : i32
              %dma_start3A_270 = arith.constant 0 : i32
              %dma_start3A_271 = tpu.memref_slice %arg2[%dma_start3A_269, %dma_start3A_270] : memref<296448x128xf32, #tpu.memory_space<hbm>> -> memref<296448x128xf32, #tpu.memory_space<hbm>>
              tpu.enqueue_indirect_dma source(%dma_start3A_271 : memref<296448x128xf32, #tpu.memory_space<hbm>>) target(%dma_start3A_265 : memref<120x128xf32, #tpu.memory_space<vmem>>) offsets(%dma_start3A_268 : memref<120xi32, #tpu.memory_space<vmem>>) semaphore(%arg8 : memref<!tpu.dma_semaphore, #tpu.memory_space<semaphore_mem>>)
            } else {
            }
          } else {
          }
        } else {
        }
        %jit3A_25 = arith.constant 3 : i32
        %eq3A_26 = arith.constant 0 : i32
        %eq3A_27 = arith.cmpi eq, %jit3A_25, %eq3A_26 : i32
        %jit3A_28 = arith.constant 1 : i32
        %select_n3A_29 = arith.select %eq3A_27, %jit3A_28, %jit3A_25 : i32
        %rem3A = arith.remsi %scan3A_18, %select_n3A_29 : i32
        %ne3A = arith.constant 0 : i32
        %ne3A_30 = arith.cmpi ne, %rem3A, %ne3A : i32
        %lt3A_31 = arith.constant 0 : i32
        %lt3A_32 = arith.cmpi slt, %rem3A, %lt3A_31 : i32
        %lt3A_33 = arith.constant 0 : i32
        %lt3A_34 = arith.cmpi slt, %select_n3A_29, %lt3A_33 : i32
        %ne3A_35 = arith.xori %lt3A_32, %lt3A_34 : i1
        %and3A = arith.andi %ne3A_35, %ne3A_30 : i1
        %add3A_36 = arith.addi %rem3A, %select_n3A_29 : i32
        %select_n3A_37 = arith.select %and3A, %add3A_36, %rem3A : i32
        %mul3A_38 = arith.constant 32 : i32
        %mul3A_39 = arith.muli %scan3A_18, %mul3A_38 : i32
        %add3A_40 = arith.addi %mul3A_39, %add3A : i32
        %jit3A_41 = arith.constant 25 : i32
        %div3A = arith.divsi %add3A_40, %jit3A_41 : i32
        %sign3A = arith.constant 0 : i32
        %sign3A_42 = arith.cmpi sgt, %add3A_40, %sign3A : i32
        %sign3A_43 = arith.extui %sign3A_42 : i1 to i32
        %sign3A_44 = arith.constant 0 : i32
        %sign3A_45 = arith.cmpi slt, %add3A_40, %sign3A_44 : i32
        %sign3A_46 = arith.extui %sign3A_45 : i1 to i32
        %sign3A_47 = arith.subi %sign3A_43, %sign3A_46 : i32
        %sign3A_48 = arith.constant 0 : i32
        %sign3A_49 = arith.cmpi sgt, %jit3A_41, %sign3A_48 : i32
        %sign3A_50 = arith.extui %sign3A_49 : i1 to i32
        %sign3A_51 = arith.constant 0 : i32
        %sign3A_52 = arith.cmpi slt, %jit3A_41, %sign3A_51 : i32
        %sign3A_53 = arith.extui %sign3A_52 : i1 to i32
        %sign3A_54 = arith.subi %sign3A_50, %sign3A_53 : i32
        %ne3A_55 = arith.cmpi ne, %sign3A_47, %sign3A_54 : i32
        %rem3A_56 = arith.remsi %add3A_40, %jit3A_41 : i32
        %ne3A_57 = arith.constant 0 : i32
        %ne3A_58 = arith.cmpi ne, %rem3A_56, %ne3A_57 : i32
        %and3A_59 = arith.andi %ne3A_55, %ne3A_58 : i1
        %sub3A = arith.constant 1 : i32
        %sub3A_60 = arith.subi %div3A, %sub3A : i32
        %select_n3A_61 = arith.select %and3A_59, %sub3A_60, %div3A : i32
        %ge3A = arith.constant 1 : i32
        %ge3A_62 = arith.cmpi sge, %select_n3A_61, %ge3A : i32
        %le3A = arith.constant 8 : i32
        %le3A_63 = arith.cmpi sle, %select_n3A_61, %le3A : i32
        %and3A_64 = arith.andi %ge3A_62, %le3A_63 : i1
        %convert_element_type3A_65 = arith.extui %and3A_64 : i1 to i32
        %cond3A_66 = arith.constant 0 : i32
        %cond3A_67 = arith.cmpi ne, %convert_element_type3A_65, %cond3A_66 : i32
        scf.if %cond3A_67 {
          %dma_wait3A = arith.constant 0 : i32
          %dma_wait3A_155 = arith.constant 0 : i32
          %dma_wait3A_156 = arith.constant 0 : i32
          %dma_wait3A_157 = tpu.memref_slice %arg7[%select_n3A_37, %dma_wait3A_155, %dma_wait3A_156] : memref<3x240x128xf32, #tpu.memory_space<vmem>> -> memref<1x48x128xf32, #tpu.memory_space<vmem>>
          %dma_wait3A_158 = tpu.memref_squeeze %dma_wait3A_157 : memref<1x48x128xf32, #tpu.memory_space<vmem>> -> memref<48x128xf32, #tpu.memory_space<vmem>>
          %dma_wait3A_159 = arith.constant 0 : i32
          %dma_wait3A_160 = tpu.memref_slice %arg6[%scan3A_18, %dma_wait3A, %dma_wait3A_159] : memref<61x2x120xi32, #tpu.memory_space<vmem>> -> memref<1x1x48xi32, #tpu.memory_space<vmem>>
          %dma_wait3A_161 = tpu.memref_squeeze %dma_wait3A_160 : memref<1x1x48xi32, #tpu.memory_space<vmem>> -> memref<48xi32, #tpu.memory_space<vmem>>
          %dma_wait3A_162 = arith.constant 0 : i32
          %dma_wait3A_163 = arith.constant 0 : i32
          %dma_wait3A_164 = tpu.memref_slice %arg3[%dma_wait3A_162, %dma_wait3A_163] : memref<48x128xf32, #tpu.memory_space<hbm>> -> memref<48x128xf32, #tpu.memory_space<hbm>>
          tpu.wait_indirect_dma semaphore(%arg8 : memref<!tpu.dma_semaphore, #tpu.memory_space<semaphore_mem>>) src(%dma_wait3A_164 : memref<48x128xf32, #tpu.memory_space<hbm>>) dst(%dma_wait3A_158 : memref<48x128xf32, #tpu.memory_space<vmem>>)
        } else {
        }
        %ge3A_68 = arith.constant 1 : i32
        %ge3A_69 = arith.cmpi sge, %select_n3A_61, %ge3A_68 : i32
        %le3A_70 = arith.constant 8 : i32
        %le3A_71 = arith.cmpi sle, %select_n3A_61, %le3A_70 : i32
        %and3A_72 = arith.andi %ge3A_69, %le3A_71 : i1
        %not3A = arith.constant true
        %not3A_73 = arith.xori %and3A_72, %not3A : i1
        %convert_element_type3A_74 = arith.extui %not3A_73 : i1 to i32
        %cond3A_75 = arith.constant 0 : i32
        %cond3A_76 = arith.cmpi ne, %convert_element_type3A_74, %cond3A_75 : i32
        scf.if %cond3A_76 {
          %dma_wait3A = arith.constant 0 : i32
          %dma_wait3A_155 = arith.constant 0 : i32
          %dma_wait3A_156 = arith.constant 0 : i32
          %dma_wait3A_157 = tpu.memref_slice %arg7[%select_n3A_37, %dma_wait3A_155, %dma_wait3A_156] : memref<3x240x128xf32, #tpu.memory_space<vmem>> -> memref<1x120x128xf32, #tpu.memory_space<vmem>>
          %dma_wait3A_158 = tpu.memref_squeeze %dma_wait3A_157 : memref<1x120x128xf32, #tpu.memory_space<vmem>> -> memref<120x128xf32, #tpu.memory_space<vmem>>
          %dma_wait3A_159 = arith.constant 0 : i32
          %dma_wait3A_160 = tpu.memref_slice %arg6[%scan3A_18, %dma_wait3A, %dma_wait3A_159] : memref<61x2x120xi32, #tpu.memory_space<vmem>> -> memref<1x1x120xi32, #tpu.memory_space<vmem>>
          %dma_wait3A_161 = tpu.memref_squeeze %dma_wait3A_160 : memref<1x1x120xi32, #tpu.memory_space<vmem>> -> memref<120xi32, #tpu.memory_space<vmem>>
          %dma_wait3A_162 = arith.constant 0 : i32
          %dma_wait3A_163 = arith.constant 0 : i32
          %dma_wait3A_164 = tpu.memref_slice %arg2[%dma_wait3A_162, %dma_wait3A_163] : memref<296448x128xf32, #tpu.memory_space<hbm>> -> memref<296448x128xf32, #tpu.memory_space<hbm>>
          tpu.wait_indirect_dma semaphore(%arg8 : memref<!tpu.dma_semaphore, #tpu.memory_space<semaphore_mem>>) src(%dma_wait3A_164 : memref<296448x128xf32, #tpu.memory_space<hbm>>) dst(%dma_wait3A_158 : memref<120x128xf32, #tpu.memory_space<vmem>>)
          %dma_wait3A_165 = arith.constant 1 : i32
          %dma_wait3A_166 = arith.constant 120 : i32
          %dma_wait3A_167 = arith.constant 0 : i32
          %dma_wait3A_168 = tpu.memref_slice %arg7[%select_n3A_37, %dma_wait3A_166, %dma_wait3A_167] : memref<3x240x128xf32, #tpu.memory_space<vmem>> -> memref<1x120x128xf32, #tpu.memory_space<vmem>>
          %dma_wait3A_169 = tpu.memref_squeeze %dma_wait3A_168 : memref<1x120x128xf32, #tpu.memory_space<vmem>> -> memref<120x128xf32, #tpu.memory_space<vmem>>
          %dma_wait3A_170 = arith.constant 0 : i32
          %dma_wait3A_171 = tpu.memref_slice %arg6[%scan3A_18, %dma_wait3A_165, %dma_wait3A_170] : memref<61x2x120xi32, #tpu.memory_space<vmem>> -> memref<1x1x120xi32, #tpu.memory_space<vmem>>
          %dma_wait3A_172 = tpu.memref_squeeze %dma_wait3A_171 : memref<1x1x120xi32, #tpu.memory_space<vmem>> -> memref<120xi32, #tpu.memory_space<vmem>>
          %dma_wait3A_173 = arith.constant 0 : i32
          %dma_wait3A_174 = arith.constant 0 : i32
          %dma_wait3A_175 = tpu.memref_slice %arg2[%dma_wait3A_173, %dma_wait3A_174] : memref<296448x128xf32, #tpu.memory_space<hbm>> -> memref<296448x128xf32, #tpu.memory_space<hbm>>
          tpu.wait_indirect_dma semaphore(%arg8 : memref<!tpu.dma_semaphore, #tpu.memory_space<semaphore_mem>>) src(%dma_wait3A_175 : memref<296448x128xf32, #tpu.memory_space<hbm>>) dst(%dma_wait3A_169 : memref<120x128xf32, #tpu.memory_space<vmem>>)
        } else {
        }
        %add3A_77 = arith.constant 2 : i32
        %add3A_78 = arith.addi %scan3A_18, %add3A_77 : i32
        %lt3A_79 = arith.cmpi slt, %add3A_78, %add3A_4 : i32
        %convert_element_type3A_80 = arith.extui %lt3A_79 : i1 to i32
        %cond3A_81 = arith.constant 0 : i32
        %cond3A_82 = arith.cmpi ne, %convert_element_type3A_80, %cond3A_81 : i32
        scf.if %cond3A_82 {
          %add3A_155 = arith.constant 2 : i32
          %add3A_156 = arith.addi %scan3A_18, %add3A_155 : i32
          %ge3A_157 = arith.constant 3 : i32
          %ge3A_158 = arith.cmpi sge, %add3A_156, %ge3A_157 : i32
          %convert_element_type3A_159 = arith.extui %ge3A_158 : i1 to i32
          %cond3A_160 = arith.constant 0 : i32
          %cond3A_161 = arith.cmpi ne, %convert_element_type3A_159, %cond3A_160 : i32
          scf.if %cond3A_161 {
            %add3A_225 = arith.constant 2 : i32
            %add3A_226 = arith.addi %scan3A_18, %add3A_225 : i32
            %sub3A_227 = arith.constant 3 : i32
            %sub3A_228 = arith.subi %add3A_226, %sub3A_227 : i32
            %jit3A_229 = arith.constant 3 : i32
            %eq3A_230 = arith.constant 0 : i32
            %eq3A_231 = arith.cmpi eq, %jit3A_229, %eq3A_230 : i32
            %jit3A_232 = arith.constant 1 : i32
            %select_n3A_233 = arith.select %eq3A_231, %jit3A_232, %jit3A_229 : i32
            %rem3A_234 = arith.remsi %sub3A_228, %select_n3A_233 : i32
            %ne3A_235 = arith.constant 0 : i32
            %ne3A_236 = arith.cmpi ne, %rem3A_234, %ne3A_235 : i32
            %lt3A_237 = arith.constant 0 : i32
            %lt3A_238 = arith.cmpi slt, %rem3A_234, %lt3A_237 : i32
            %lt3A_239 = arith.constant 0 : i32
            %lt3A_240 = arith.cmpi slt, %select_n3A_233, %lt3A_239 : i32
            %ne3A_241 = arith.xori %lt3A_238, %lt3A_240 : i1
            %and3A_242 = arith.andi %ne3A_241, %ne3A_236 : i1
            %add3A_243 = arith.addi %rem3A_234, %select_n3A_233 : i32
            %select_n3A_244 = arith.select %and3A_242, %add3A_243, %rem3A_234 : i32
            %mul3A_245 = arith.constant 32 : i32
            %mul3A_246 = arith.muli %sub3A_228, %mul3A_245 : i32
            %add3A_247 = arith.addi %mul3A_246, %add3A : i32
            %mul3A_248 = arith.constant 240 : i32
            %mul3A_249 = arith.muli %add3A_247, %mul3A_248 : i32
            %dma_wait3A = arith.constant 0 : i32
            %dma_wait3A_250 = arith.constant 0 : i32
            %dma_wait3A_251 = tpu.memref_slice %arg7[%select_n3A_244, %dma_wait3A, %dma_wait3A_250] : memref<3x240x128xf32, #tpu.memory_space<vmem>> -> memref<1x240x128xf32, #tpu.memory_space<vmem>>
            %dma_wait3A_252 = tpu.memref_squeeze %dma_wait3A_251 : memref<1x240x128xf32, #tpu.memory_space<vmem>> -> memref<240x128xf32, #tpu.memory_space<vmem>>
            %dma_wait3A_253 = arith.constant 0 : i32
            %dma_wait3A_254 = tpu.memref_slice %arg5[%mul3A_249, %dma_wait3A_253] : memref<462000x128xf32, #tpu.memory_space<hbm>> -> memref<240x128xf32, #tpu.memory_space<hbm>>
            %dma_wait3A_255 = arith.constant 0 : i32
            %dma_wait3A_256 = tpu.memref_slice %arg5[%mul3A_249, %dma_wait3A_255] : memref<462000x128xf32, #tpu.memory_space<hbm>> -> memref<240x128xf32, #tpu.memory_space<hbm>>
            %dma_wait3A_257 = arith.constant 0 : i32
            %dma_wait3A_258 = arith.constant 0 : i32
            %dma_wait3A_259 = tpu.memref_slice %arg7[%select_n3A_244, %dma_wait3A_257, %dma_wait3A_258] : memref<3x240x128xf32, #tpu.memory_space<vmem>> -> memref<1x240x128xf32, #tpu.memory_space<vmem>>
            %dma_wait3A_260 = tpu.memref_squeeze %dma_wait3A_259 : memref<1x240x128xf32, #tpu.memory_space<vmem>> -> memref<240x128xf32, #tpu.memory_space<vmem>>
            tpu.wait_dma2 semaphore(%arg9 : memref<!tpu.dma_semaphore, #tpu.memory_space<semaphore_mem>>) src(%dma_wait3A_260 : memref<240x128xf32, #tpu.memory_space<vmem>>) dst(%dma_wait3A_256 : memref<240x128xf32, #tpu.memory_space<hbm>>)
          } else {
          }
          %add3A_162 = arith.constant 2 : i32
          %add3A_163 = arith.addi %scan3A_18, %add3A_162 : i32
          %jit3A_164 = arith.constant 3 : i32
          %eq3A_165 = arith.constant 0 : i32
          %eq3A_166 = arith.cmpi eq, %jit3A_164, %eq3A_165 : i32
          %jit3A_167 = arith.constant 1 : i32
          %select_n3A_168 = arith.select %eq3A_166, %jit3A_167, %jit3A_164 : i32
          %rem3A_169 = arith.remsi %add3A_163, %select_n3A_168 : i32
          %ne3A_170 = arith.constant 0 : i32
          %ne3A_171 = arith.cmpi ne, %rem3A_169, %ne3A_170 : i32
          %lt3A_172 = arith.constant 0 : i32
          %lt3A_173 = arith.cmpi slt, %rem3A_169, %lt3A_172 : i32
          %lt3A_174 = arith.constant 0 : i32
          %lt3A_175 = arith.cmpi slt, %select_n3A_168, %lt3A_174 : i32
          %ne3A_176 = arith.xori %lt3A_173, %lt3A_175 : i1
          %and3A_177 = arith.andi %ne3A_176, %ne3A_171 : i1
          %add3A_178 = arith.addi %rem3A_169, %select_n3A_168 : i32
          %select_n3A_179 = arith.select %and3A_177, %add3A_178, %rem3A_169 : i32
          %mul3A_180 = arith.constant 32 : i32
          %mul3A_181 = arith.muli %add3A_163, %mul3A_180 : i32
          %add3A_182 = arith.addi %mul3A_181, %add3A : i32
          %jit3A_183 = arith.constant 25 : i32
          %div3A_184 = arith.divsi %add3A_182, %jit3A_183 : i32
          %sign3A_185 = arith.constant 0 : i32
          %sign3A_186 = arith.cmpi sgt, %add3A_182, %sign3A_185 : i32
          %sign3A_187 = arith.extui %sign3A_186 : i1 to i32
          %sign3A_188 = arith.constant 0 : i32
          %sign3A_189 = arith.cmpi slt, %add3A_182, %sign3A_188 : i32
          %sign3A_190 = arith.extui %sign3A_189 : i1 to i32
          %sign3A_191 = arith.subi %sign3A_187, %sign3A_190 : i32
          %sign3A_192 = arith.constant 0 : i32
          %sign3A_193 = arith.cmpi sgt, %jit3A_183, %sign3A_192 : i32
          %sign3A_194 = arith.extui %sign3A_193 : i1 to i32
          %sign3A_195 = arith.constant 0 : i32
          %sign3A_196 = arith.cmpi slt, %jit3A_183, %sign3A_195 : i32
          %sign3A_197 = arith.extui %sign3A_196 : i1 to i32
          %sign3A_198 = arith.subi %sign3A_194, %sign3A_197 : i32
          %ne3A_199 = arith.cmpi ne, %sign3A_191, %sign3A_198 : i32
          %rem3A_200 = arith.remsi %add3A_182, %jit3A_183 : i32
          %ne3A_201 = arith.constant 0 : i32
          %ne3A_202 = arith.cmpi ne, %rem3A_200, %ne3A_201 : i32
          %and3A_203 = arith.andi %ne3A_199, %ne3A_202 : i1
          %sub3A_204 = arith.constant 1 : i32
          %sub3A_205 = arith.subi %div3A_184, %sub3A_204 : i32
          %select_n3A_206 = arith.select %and3A_203, %sub3A_205, %div3A_184 : i32
          %ge3A_207 = arith.constant 1 : i32
          %ge3A_208 = arith.cmpi sge, %select_n3A_206, %ge3A_207 : i32
          %le3A_209 = arith.constant 8 : i32
          %le3A_210 = arith.cmpi sle, %select_n3A_206, %le3A_209 : i32
          %and3A_211 = arith.andi %ge3A_208, %le3A_210 : i1
          %convert_element_type3A_212 = arith.extui %and3A_211 : i1 to i32
          %cond3A_213 = arith.constant 0 : i32
          %cond3A_214 = arith.cmpi ne, %convert_element_type3A_212, %cond3A_213 : i32
          scf.if %cond3A_214 {
            %dma_start3A = arith.constant 0 : i32
            %dma_start3A_225 = arith.constant 0 : i32
            %dma_start3A_226 = arith.constant 0 : i32
            %dma_start3A_227 = tpu.memref_slice %arg7[%select_n3A_179, %dma_start3A_225, %dma_start3A_226] : memref<3x240x128xf32, #tpu.memory_space<vmem>> -> memref<1x48x128xf32, #tpu.memory_space<vmem>>
            %dma_start3A_228 = tpu.memref_squeeze %dma_start3A_227 : memref<1x48x128xf32, #tpu.memory_space<vmem>> -> memref<48x128xf32, #tpu.memory_space<vmem>>
            %dma_start3A_229 = arith.constant 0 : i32
            %dma_start3A_230 = tpu.memref_slice %arg6[%add3A_163, %dma_start3A, %dma_start3A_229] : memref<61x2x120xi32, #tpu.memory_space<vmem>> -> memref<1x1x48xi32, #tpu.memory_space<vmem>>
            %dma_start3A_231 = tpu.memref_squeeze %dma_start3A_230 : memref<1x1x48xi32, #tpu.memory_space<vmem>> -> memref<48xi32, #tpu.memory_space<vmem>>
            %dma_start3A_232 = arith.constant 0 : i32
            %dma_start3A_233 = arith.constant 0 : i32
            %dma_start3A_234 = tpu.memref_slice %arg3[%dma_start3A_232, %dma_start3A_233] : memref<48x128xf32, #tpu.memory_space<hbm>> -> memref<48x128xf32, #tpu.memory_space<hbm>>
            tpu.enqueue_indirect_dma source(%dma_start3A_234 : memref<48x128xf32, #tpu.memory_space<hbm>>) target(%dma_start3A_228 : memref<48x128xf32, #tpu.memory_space<vmem>>) offsets(%dma_start3A_231 : memref<48xi32, #tpu.memory_space<vmem>>) semaphore(%arg8 : memref<!tpu.dma_semaphore, #tpu.memory_space<semaphore_mem>>)
          } else {
          }
          %ge3A_215 = arith.constant 1 : i32
          %ge3A_216 = arith.cmpi sge, %select_n3A_206, %ge3A_215 : i32
          %le3A_217 = arith.constant 8 : i32
          %le3A_218 = arith.cmpi sle, %select_n3A_206, %le3A_217 : i32
          %and3A_219 = arith.andi %ge3A_216, %le3A_218 : i1
          %not3A_220 = arith.constant true
          %not3A_221 = arith.xori %and3A_219, %not3A_220 : i1
          %convert_element_type3A_222 = arith.extui %not3A_221 : i1 to i32
          %cond3A_223 = arith.constant 0 : i32
          %cond3A_224 = arith.cmpi ne, %convert_element_type3A_222, %cond3A_223 : i32
          scf.if %cond3A_224 {
            %dma_start3A = arith.constant 0 : i32
            %dma_start3A_225 = arith.constant 0 : i32
            %dma_start3A_226 = arith.constant 0 : i32
            %dma_start3A_227 = tpu.memref_slice %arg7[%select_n3A_179, %dma_start3A_225, %dma_start3A_226] : memref<3x240x128xf32, #tpu.memory_space<vmem>> -> memref<1x120x128xf32, #tpu.memory_space<vmem>>
            %dma_start3A_228 = tpu.memref_squeeze %dma_start3A_227 : memref<1x120x128xf32, #tpu.memory_space<vmem>> -> memref<120x128xf32, #tpu.memory_space<vmem>>
            %dma_start3A_229 = arith.constant 0 : i32
            %dma_start3A_230 = tpu.memref_slice %arg6[%add3A_163, %dma_start3A, %dma_start3A_229] : memref<61x2x120xi32, #tpu.memory_space<vmem>> -> memref<1x1x120xi32, #tpu.memory_space<vmem>>
            %dma_start3A_231 = tpu.memref_squeeze %dma_start3A_230 : memref<1x1x120xi32, #tpu.memory_space<vmem>> -> memref<120xi32, #tpu.memory_space<vmem>>
            %dma_start3A_232 = arith.constant 0 : i32
            %dma_start3A_233 = arith.constant 0 : i32
            %dma_start3A_234 = tpu.memref_slice %arg2[%dma_start3A_232, %dma_start3A_233] : memref<296448x128xf32, #tpu.memory_space<hbm>> -> memref<296448x128xf32, #tpu.memory_space<hbm>>
            tpu.enqueue_indirect_dma source(%dma_start3A_234 : memref<296448x128xf32, #tpu.memory_space<hbm>>) target(%dma_start3A_228 : memref<120x128xf32, #tpu.memory_space<vmem>>) offsets(%dma_start3A_231 : memref<120xi32, #tpu.memory_space<vmem>>) semaphore(%arg8 : memref<!tpu.dma_semaphore, #tpu.memory_space<semaphore_mem>>)
            %dma_start3A_235 = arith.constant 1 : i32
            %dma_start3A_236 = arith.constant 120 : i32
            %dma_start3A_237 = arith.constant 0 : i32
            %dma_start3A_238 = tpu.memref_slice %arg7[%select_n3A_179, %dma_start3A_236, %dma_start3A_237] : memref<3x240x128xf32, #tpu.memory_space<vmem>> -> memref<1x120x128xf32, #tpu.memory_space<vmem>>
            %dma_start3A_239 = tpu.memref_squeeze %dma_start3A_238 : memref<1x120x128xf32, #tpu.memory_space<vmem>> -> memref<120x128xf32, #tpu.memory_space<vmem>>
            %dma_start3A_240 = arith.constant 0 : i32
            %dma_start3A_241 = tpu.memref_slice %arg6[%add3A_163, %dma_start3A_235, %dma_start3A_240] : memref<61x2x120xi32, #tpu.memory_space<vmem>> -> memref<1x1x120xi32, #tpu.memory_space<vmem>>
            %dma_start3A_242 = tpu.memref_squeeze %dma_start3A_241 : memref<1x1x120xi32, #tpu.memory_space<vmem>> -> memref<120xi32, #tpu.memory_space<vmem>>
            %dma_start3A_243 = arith.constant 0 : i32
            %dma_start3A_244 = arith.constant 0 : i32
            %dma_start3A_245 = tpu.memref_slice %arg2[%dma_start3A_243, %dma_start3A_244] : memref<296448x128xf32, #tpu.memory_space<hbm>> -> memref<296448x128xf32, #tpu.memory_space<hbm>>
            tpu.enqueue_indirect_dma source(%dma_start3A_245 : memref<296448x128xf32, #tpu.memory_space<hbm>>) target(%dma_start3A_239 : memref<120x128xf32, #tpu.memory_space<vmem>>) offsets(%dma_start3A_242 : memref<120xi32, #tpu.memory_space<vmem>>) semaphore(%arg8 : memref<!tpu.dma_semaphore, #tpu.memory_space<semaphore_mem>>)
          } else {
          }
        } else {
        }
        %mul3A_83 = arith.constant 32 : i32
        %mul3A_84 = arith.muli %scan3A_18, %mul3A_83 : i32
        %add3A_85 = arith.addi %mul3A_84, %add3A : i32
        %jit3A_86 = arith.constant 25 : i32
        %div3A_87 = arith.divsi %add3A_85, %jit3A_86 : i32
        %sign3A_88 = arith.constant 0 : i32
        %sign3A_89 = arith.cmpi sgt, %add3A_85, %sign3A_88 : i32
        %sign3A_90 = arith.extui %sign3A_89 : i1 to i32
        %sign3A_91 = arith.constant 0 : i32
        %sign3A_92 = arith.cmpi slt, %add3A_85, %sign3A_91 : i32
        %sign3A_93 = arith.extui %sign3A_92 : i1 to i32
        %sign3A_94 = arith.subi %sign3A_90, %sign3A_93 : i32
        %sign3A_95 = arith.constant 0 : i32
        %sign3A_96 = arith.cmpi sgt, %jit3A_86, %sign3A_95 : i32
        %sign3A_97 = arith.extui %sign3A_96 : i1 to i32
        %sign3A_98 = arith.constant 0 : i32
        %sign3A_99 = arith.cmpi slt, %jit3A_86, %sign3A_98 : i32
        %sign3A_100 = arith.extui %sign3A_99 : i1 to i32
        %sign3A_101 = arith.subi %sign3A_97, %sign3A_100 : i32
        %ne3A_102 = arith.cmpi ne, %sign3A_94, %sign3A_101 : i32
        %rem3A_103 = arith.remsi %add3A_85, %jit3A_86 : i32
        %ne3A_104 = arith.constant 0 : i32
        %ne3A_105 = arith.cmpi ne, %rem3A_103, %ne3A_104 : i32
        %and3A_106 = arith.andi %ne3A_102, %ne3A_105 : i1
        %sub3A_107 = arith.constant 1 : i32
        %sub3A_108 = arith.subi %div3A_87, %sub3A_107 : i32
        %select_n3A_109 = arith.select %and3A_106, %sub3A_108, %div3A_87 : i32
        %ge3A_110 = arith.constant 1 : i32
        %ge3A_111 = arith.cmpi sge, %select_n3A_109, %ge3A_110 : i32
        %le3A_112 = arith.constant 8 : i32
        %le3A_113 = arith.cmpi sle, %select_n3A_109, %le3A_112 : i32
        %and3A_114 = arith.andi %ge3A_111, %le3A_113 : i1
        %convert_element_type3A_115 = arith.extui %and3A_114 : i1 to i32
        %cond3A_116 = arith.constant 0 : i32
        %cond3A_117 = arith.cmpi ne, %convert_element_type3A_115, %cond3A_116 : i32
        scf.if %cond3A_117 {
          %jit3A_155 = arith.constant 3 : i32
          %eq3A_156 = arith.constant 0 : i32
          %eq3A_157 = arith.cmpi eq, %jit3A_155, %eq3A_156 : i32
          %jit3A_158 = arith.constant 1 : i32
          %select_n3A_159 = arith.select %eq3A_157, %jit3A_158, %jit3A_155 : i32
          %rem3A_160 = arith.remsi %scan3A_18, %select_n3A_159 : i32
          %ne3A_161 = arith.constant 0 : i32
          %ne3A_162 = arith.cmpi ne, %rem3A_160, %ne3A_161 : i32
          %lt3A_163 = arith.constant 0 : i32
          %lt3A_164 = arith.cmpi slt, %rem3A_160, %lt3A_163 : i32
          %lt3A_165 = arith.constant 0 : i32
          %lt3A_166 = arith.cmpi slt, %select_n3A_159, %lt3A_165 : i32
          %ne3A_167 = arith.xori %lt3A_164, %lt3A_166 : i1
          %and3A_168 = arith.andi %ne3A_167, %ne3A_162 : i1
          %add3A_169 = arith.addi %rem3A_160, %select_n3A_159 : i32
          %select_n3A_170 = arith.select %and3A_168, %add3A_169, %rem3A_160 : i32
          %mul3A_171 = arith.constant 32 : i32
          %mul3A_172 = arith.muli %scan3A_18, %mul3A_171 : i32
          %add3A_173 = arith.addi %mul3A_172, %add3A : i32
          %mul3A_174 = arith.constant 240 : i32
          %mul3A_175 = arith.muli %add3A_173, %mul3A_174 : i32
          %add3A_176 = arith.constant 0 : i32
          %add3A_177 = arith.addi %mul3A_175, %add3A_176 : i32
          %dma_start3A = arith.constant 0 : i32
          %dma_start3A_178 = arith.constant 0 : i32
          %dma_start3A_179 = tpu.memref_slice %arg7[%select_n3A_170, %dma_start3A, %dma_start3A_178] : memref<3x240x128xf32, #tpu.memory_space<vmem>> -> memref<1x48x128xf32, #tpu.memory_space<vmem>>
          %dma_start3A_180 = tpu.memref_squeeze %dma_start3A_179 : memref<1x48x128xf32, #tpu.memory_space<vmem>> -> memref<48x128xf32, #tpu.memory_space<vmem>>
          %dma_start3A_181 = arith.constant 0 : i32
          %dma_start3A_182 = tpu.memref_slice %arg5[%add3A_177, %dma_start3A_181] : memref<462000x128xf32, #tpu.memory_space<hbm>> -> memref<48x128xf32, #tpu.memory_space<hbm>>
          %dma_start3A_183 = arith.constant 0 : i32
          %dma_start3A_184 = tpu.memref_slice %arg5[%add3A_177, %dma_start3A_183] : memref<462000x128xf32, #tpu.memory_space<hbm>> -> memref<48x128xf32, #tpu.memory_space<hbm>>
          %dma_start3A_185 = arith.constant 0 : i32
          %dma_start3A_186 = arith.constant 0 : i32
          %dma_start3A_187 = tpu.memref_slice %arg7[%select_n3A_170, %dma_start3A_185, %dma_start3A_186] : memref<3x240x128xf32, #tpu.memory_space<vmem>> -> memref<1x48x128xf32, #tpu.memory_space<vmem>>
          %dma_start3A_188 = tpu.memref_squeeze %dma_start3A_187 : memref<1x48x128xf32, #tpu.memory_space<vmem>> -> memref<48x128xf32, #tpu.memory_space<vmem>>
          tpu.enqueue_dma source(%dma_start3A_188 : memref<48x128xf32, #tpu.memory_space<vmem>>) target(%dma_start3A_184 : memref<48x128xf32, #tpu.memory_space<hbm>>) target_semaphore(%arg9 : memref<!tpu.dma_semaphore, #tpu.memory_space<semaphore_mem>>)
          %jit3A_189 = arith.constant 3 : i32
          %eq3A_190 = arith.constant 0 : i32
          %eq3A_191 = arith.cmpi eq, %jit3A_189, %eq3A_190 : i32
          %jit3A_192 = arith.constant 1 : i32
          %select_n3A_193 = arith.select %eq3A_191, %jit3A_192, %jit3A_189 : i32
          %rem3A_194 = arith.remsi %scan3A_18, %select_n3A_193 : i32
          %ne3A_195 = arith.constant 0 : i32
          %ne3A_196 = arith.cmpi ne, %rem3A_194, %ne3A_195 : i32
          %lt3A_197 = arith.constant 0 : i32
          %lt3A_198 = arith.cmpi slt, %rem3A_194, %lt3A_197 : i32
          %lt3A_199 = arith.constant 0 : i32
          %lt3A_200 = arith.cmpi slt, %select_n3A_193, %lt3A_199 : i32
          %ne3A_201 = arith.xori %lt3A_198, %lt3A_200 : i1
          %and3A_202 = arith.andi %ne3A_201, %ne3A_196 : i1
          %add3A_203 = arith.addi %rem3A_194, %select_n3A_193 : i32
          %select_n3A_204 = arith.select %and3A_202, %add3A_203, %rem3A_194 : i32
          %mul3A_205 = arith.constant 32 : i32
          %mul3A_206 = arith.muli %scan3A_18, %mul3A_205 : i32
          %add3A_207 = arith.addi %mul3A_206, %add3A : i32
          %mul3A_208 = arith.constant 240 : i32
          %mul3A_209 = arith.muli %add3A_207, %mul3A_208 : i32
          %add3A_210 = arith.constant 48 : i32
          %add3A_211 = arith.addi %mul3A_209, %add3A_210 : i32
          %dma_start3A_212 = arith.constant 0 : i32
          %dma_start3A_213 = arith.constant 0 : i32
          %dma_start3A_214 = tpu.memref_slice %arg7[%select_n3A_204, %dma_start3A_212, %dma_start3A_213] : memref<3x240x128xf32, #tpu.memory_space<vmem>> -> memref<1x48x128xf32, #tpu.memory_space<vmem>>
          %dma_start3A_215 = tpu.memref_squeeze %dma_start3A_214 : memref<1x48x128xf32, #tpu.memory_space<vmem>> -> memref<48x128xf32, #tpu.memory_space<vmem>>
          %dma_start3A_216 = arith.constant 0 : i32
          %dma_start3A_217 = tpu.memref_slice %arg5[%add3A_211, %dma_start3A_216] : memref<462000x128xf32, #tpu.memory_space<hbm>> -> memref<48x128xf32, #tpu.memory_space<hbm>>
          %dma_start3A_218 = arith.constant 0 : i32
          %dma_start3A_219 = tpu.memref_slice %arg5[%add3A_211, %dma_start3A_218] : memref<462000x128xf32, #tpu.memory_space<hbm>> -> memref<48x128xf32, #tpu.memory_space<hbm>>
          %dma_start3A_220 = arith.constant 0 : i32
          %dma_start3A_221 = arith.constant 0 : i32
          %dma_start3A_222 = tpu.memref_slice %arg7[%select_n3A_204, %dma_start3A_220, %dma_start3A_221] : memref<3x240x128xf32, #tpu.memory_space<vmem>> -> memref<1x48x128xf32, #tpu.memory_space<vmem>>
          %dma_start3A_223 = tpu.memref_squeeze %dma_start3A_222 : memref<1x48x128xf32, #tpu.memory_space<vmem>> -> memref<48x128xf32, #tpu.memory_space<vmem>>
          tpu.enqueue_dma source(%dma_start3A_223 : memref<48x128xf32, #tpu.memory_space<vmem>>) target(%dma_start3A_219 : memref<48x128xf32, #tpu.memory_space<hbm>>) target_semaphore(%arg9 : memref<!tpu.dma_semaphore, #tpu.memory_space<semaphore_mem>>)
          %jit3A_224 = arith.constant 3 : i32
          %eq3A_225 = arith.constant 0 : i32
          %eq3A_226 = arith.cmpi eq, %jit3A_224, %eq3A_225 : i32
          %jit3A_227 = arith.constant 1 : i32
          %select_n3A_228 = arith.select %eq3A_226, %jit3A_227, %jit3A_224 : i32
          %rem3A_229 = arith.remsi %scan3A_18, %select_n3A_228 : i32
          %ne3A_230 = arith.constant 0 : i32
          %ne3A_231 = arith.cmpi ne, %rem3A_229, %ne3A_230 : i32
          %lt3A_232 = arith.constant 0 : i32
          %lt3A_233 = arith.cmpi slt, %rem3A_229, %lt3A_232 : i32
          %lt3A_234 = arith.constant 0 : i32
          %lt3A_235 = arith.cmpi slt, %select_n3A_228, %lt3A_234 : i32
          %ne3A_236 = arith.xori %lt3A_233, %lt3A_235 : i1
          %and3A_237 = arith.andi %ne3A_236, %ne3A_231 : i1
          %add3A_238 = arith.addi %rem3A_229, %select_n3A_228 : i32
          %select_n3A_239 = arith.select %and3A_237, %add3A_238, %rem3A_229 : i32
          %mul3A_240 = arith.constant 32 : i32
          %mul3A_241 = arith.muli %scan3A_18, %mul3A_240 : i32
          %add3A_242 = arith.addi %mul3A_241, %add3A : i32
          %mul3A_243 = arith.constant 240 : i32
          %mul3A_244 = arith.muli %add3A_242, %mul3A_243 : i32
          %add3A_245 = arith.constant 96 : i32
          %add3A_246 = arith.addi %mul3A_244, %add3A_245 : i32
          %dma_start3A_247 = arith.constant 0 : i32
          %dma_start3A_248 = arith.constant 0 : i32
          %dma_start3A_249 = tpu.memref_slice %arg7[%select_n3A_239, %dma_start3A_247, %dma_start3A_248] : memref<3x240x128xf32, #tpu.memory_space<vmem>> -> memref<1x48x128xf32, #tpu.memory_space<vmem>>
          %dma_start3A_250 = tpu.memref_squeeze %dma_start3A_249 : memref<1x48x128xf32, #tpu.memory_space<vmem>> -> memref<48x128xf32, #tpu.memory_space<vmem>>
          %dma_start3A_251 = arith.constant 0 : i32
          %dma_start3A_252 = tpu.memref_slice %arg5[%add3A_246, %dma_start3A_251] : memref<462000x128xf32, #tpu.memory_space<hbm>> -> memref<48x128xf32, #tpu.memory_space<hbm>>
          %dma_start3A_253 = arith.constant 0 : i32
          %dma_start3A_254 = tpu.memref_slice %arg5[%add3A_246, %dma_start3A_253] : memref<462000x128xf32, #tpu.memory_space<hbm>> -> memref<48x128xf32, #tpu.memory_space<hbm>>
          %dma_start3A_255 = arith.constant 0 : i32
          %dma_start3A_256 = arith.constant 0 : i32
          %dma_start3A_257 = tpu.memref_slice %arg7[%select_n3A_239, %dma_start3A_255, %dma_start3A_256] : memref<3x240x128xf32, #tpu.memory_space<vmem>> -> memref<1x48x128xf32, #tpu.memory_space<vmem>>
          %dma_start3A_258 = tpu.memref_squeeze %dma_start3A_257 : memref<1x48x128xf32, #tpu.memory_space<vmem>> -> memref<48x128xf32, #tpu.memory_space<vmem>>
          tpu.enqueue_dma source(%dma_start3A_258 : memref<48x128xf32, #tpu.memory_space<vmem>>) target(%dma_start3A_254 : memref<48x128xf32, #tpu.memory_space<hbm>>) target_semaphore(%arg9 : memref<!tpu.dma_semaphore, #tpu.memory_space<semaphore_mem>>)
          %jit3A_259 = arith.constant 3 : i32
          %eq3A_260 = arith.constant 0 : i32
          %eq3A_261 = arith.cmpi eq, %jit3A_259, %eq3A_260 : i32
          %jit3A_262 = arith.constant 1 : i32
          %select_n3A_263 = arith.select %eq3A_261, %jit3A_262, %jit3A_259 : i32
          %rem3A_264 = arith.remsi %scan3A_18, %select_n3A_263 : i32
          %ne3A_265 = arith.constant 0 : i32
          %ne3A_266 = arith.cmpi ne, %rem3A_264, %ne3A_265 : i32
          %lt3A_267 = arith.constant 0 : i32
          %lt3A_268 = arith.cmpi slt, %rem3A_264, %lt3A_267 : i32
          %lt3A_269 = arith.constant 0 : i32
          %lt3A_270 = arith.cmpi slt, %select_n3A_263, %lt3A_269 : i32
          %ne3A_271 = arith.xori %lt3A_268, %lt3A_270 : i1
          %and3A_272 = arith.andi %ne3A_271, %ne3A_266 : i1
          %add3A_273 = arith.addi %rem3A_264, %select_n3A_263 : i32
          %select_n3A_274 = arith.select %and3A_272, %add3A_273, %rem3A_264 : i32
          %mul3A_275 = arith.constant 32 : i32
          %mul3A_276 = arith.muli %scan3A_18, %mul3A_275 : i32
          %add3A_277 = arith.addi %mul3A_276, %add3A : i32
          %mul3A_278 = arith.constant 240 : i32
          %mul3A_279 = arith.muli %add3A_277, %mul3A_278 : i32
          %add3A_280 = arith.constant 144 : i32
          %add3A_281 = arith.addi %mul3A_279, %add3A_280 : i32
          %dma_start3A_282 = arith.constant 0 : i32
          %dma_start3A_283 = arith.constant 0 : i32
          %dma_start3A_284 = tpu.memref_slice %arg7[%select_n3A_274, %dma_start3A_282, %dma_start3A_283] : memref<3x240x128xf32, #tpu.memory_space<vmem>> -> memref<1x48x128xf32, #tpu.memory_space<vmem>>
          %dma_start3A_285 = tpu.memref_squeeze %dma_start3A_284 : memref<1x48x128xf32, #tpu.memory_space<vmem>> -> memref<48x128xf32, #tpu.memory_space<vmem>>
          %dma_start3A_286 = arith.constant 0 : i32
          %dma_start3A_287 = tpu.memref_slice %arg5[%add3A_281, %dma_start3A_286] : memref<462000x128xf32, #tpu.memory_space<hbm>> -> memref<48x128xf32, #tpu.memory_space<hbm>>
          %dma_start3A_288 = arith.constant 0 : i32
          %dma_start3A_289 = tpu.memref_slice %arg5[%add3A_281, %dma_start3A_288] : memref<462000x128xf32, #tpu.memory_space<hbm>> -> memref<48x128xf32, #tpu.memory_space<hbm>>
          %dma_start3A_290 = arith.constant 0 : i32
          %dma_start3A_291 = arith.constant 0 : i32
          %dma_start3A_292 = tpu.memref_slice %arg7[%select_n3A_274, %dma_start3A_290, %dma_start3A_291] : memref<3x240x128xf32, #tpu.memory_space<vmem>> -> memref<1x48x128xf32, #tpu.memory_space<vmem>>
          %dma_start3A_293 = tpu.memref_squeeze %dma_start3A_292 : memref<1x48x128xf32, #tpu.memory_space<vmem>> -> memref<48x128xf32, #tpu.memory_space<vmem>>
          tpu.enqueue_dma source(%dma_start3A_293 : memref<48x128xf32, #tpu.memory_space<vmem>>) target(%dma_start3A_289 : memref<48x128xf32, #tpu.memory_space<hbm>>) target_semaphore(%arg9 : memref<!tpu.dma_semaphore, #tpu.memory_space<semaphore_mem>>)
          %jit3A_294 = arith.constant 3 : i32
          %eq3A_295 = arith.constant 0 : i32
          %eq3A_296 = arith.cmpi eq, %jit3A_294, %eq3A_295 : i32
          %jit3A_297 = arith.constant 1 : i32
          %select_n3A_298 = arith.select %eq3A_296, %jit3A_297, %jit3A_294 : i32
          %rem3A_299 = arith.remsi %scan3A_18, %select_n3A_298 : i32
          %ne3A_300 = arith.constant 0 : i32
          %ne3A_301 = arith.cmpi ne, %rem3A_299, %ne3A_300 : i32
          %lt3A_302 = arith.constant 0 : i32
          %lt3A_303 = arith.cmpi slt, %rem3A_299, %lt3A_302 : i32
          %lt3A_304 = arith.constant 0 : i32
          %lt3A_305 = arith.cmpi slt, %select_n3A_298, %lt3A_304 : i32
          %ne3A_306 = arith.xori %lt3A_303, %lt3A_305 : i1
          %and3A_307 = arith.andi %ne3A_306, %ne3A_301 : i1
          %add3A_308 = arith.addi %rem3A_299, %select_n3A_298 : i32
          %select_n3A_309 = arith.select %and3A_307, %add3A_308, %rem3A_299 : i32
          %mul3A_310 = arith.constant 32 : i32
          %mul3A_311 = arith.muli %scan3A_18, %mul3A_310 : i32
          %add3A_312 = arith.addi %mul3A_311, %add3A : i32
          %mul3A_313 = arith.constant 240 : i32
          %mul3A_314 = arith.muli %add3A_312, %mul3A_313 : i32
          %add3A_315 = arith.constant 192 : i32
          %add3A_316 = arith.addi %mul3A_314, %add3A_315 : i32
          %dma_start3A_317 = arith.constant 0 : i32
          %dma_start3A_318 = arith.constant 0 : i32
          %dma_start3A_319 = tpu.memref_slice %arg7[%select_n3A_309, %dma_start3A_317, %dma_start3A_318] : memref<3x240x128xf32, #tpu.memory_space<vmem>> -> memref<1x48x128xf32, #tpu.memory_space<vmem>>
          %dma_start3A_320 = tpu.memref_squeeze %dma_start3A_319 : memref<1x48x128xf32, #tpu.memory_space<vmem>> -> memref<48x128xf32, #tpu.memory_space<vmem>>
          %dma_start3A_321 = arith.constant 0 : i32
          %dma_start3A_322 = tpu.memref_slice %arg5[%add3A_316, %dma_start3A_321] : memref<462000x128xf32, #tpu.memory_space<hbm>> -> memref<48x128xf32, #tpu.memory_space<hbm>>
          %dma_start3A_323 = arith.constant 0 : i32
          %dma_start3A_324 = tpu.memref_slice %arg5[%add3A_316, %dma_start3A_323] : memref<462000x128xf32, #tpu.memory_space<hbm>> -> memref<48x128xf32, #tpu.memory_space<hbm>>
          %dma_start3A_325 = arith.constant 0 : i32
          %dma_start3A_326 = arith.constant 0 : i32
          %dma_start3A_327 = tpu.memref_slice %arg7[%select_n3A_309, %dma_start3A_325, %dma_start3A_326] : memref<3x240x128xf32, #tpu.memory_space<vmem>> -> memref<1x48x128xf32, #tpu.memory_space<vmem>>
          %dma_start3A_328 = tpu.memref_squeeze %dma_start3A_327 : memref<1x48x128xf32, #tpu.memory_space<vmem>> -> memref<48x128xf32, #tpu.memory_space<vmem>>
          tpu.enqueue_dma source(%dma_start3A_328 : memref<48x128xf32, #tpu.memory_space<vmem>>) target(%dma_start3A_324 : memref<48x128xf32, #tpu.memory_space<hbm>>) target_semaphore(%arg9 : memref<!tpu.dma_semaphore, #tpu.memory_space<semaphore_mem>>)
        } else {
        }
        %mul3A_118 = arith.constant 32 : i32
        %mul3A_119 = arith.muli %scan3A_18, %mul3A_118 : i32
        %add3A_120 = arith.addi %mul3A_119, %add3A : i32
        %jit3A_121 = arith.constant 25 : i32
        %div3A_122 = arith.divsi %add3A_120, %jit3A_121 : i32
        %sign3A_123 = arith.constant 0 : i32
        %sign3A_124 = arith.cmpi sgt, %add3A_120, %sign3A_123 : i32
        %sign3A_125 = arith.extui %sign3A_124 : i1 to i32
        %sign3A_126 = arith.constant 0 : i32
        %sign3A_127 = arith.cmpi slt, %add3A_120, %sign3A_126 : i32
        %sign3A_128 = arith.extui %sign3A_127 : i1 to i32
        %sign3A_129 = arith.subi %sign3A_125, %sign3A_128 : i32
        %sign3A_130 = arith.constant 0 : i32
        %sign3A_131 = arith.cmpi sgt, %jit3A_121, %sign3A_130 : i32
        %sign3A_132 = arith.extui %sign3A_131 : i1 to i32
        %sign3A_133 = arith.constant 0 : i32
        %sign3A_134 = arith.cmpi slt, %jit3A_121, %sign3A_133 : i32
        %sign3A_135 = arith.extui %sign3A_134 : i1 to i32
        %sign3A_136 = arith.subi %sign3A_132, %sign3A_135 : i32
        %ne3A_137 = arith.cmpi ne, %sign3A_129, %sign3A_136 : i32
        %rem3A_138 = arith.remsi %add3A_120, %jit3A_121 : i32
        %ne3A_139 = arith.constant 0 : i32
        %ne3A_140 = arith.cmpi ne, %rem3A_138, %ne3A_139 : i32
        %and3A_141 = arith.andi %ne3A_137, %ne3A_140 : i1
        %sub3A_142 = arith.constant 1 : i32
        %sub3A_143 = arith.subi %div3A_122, %sub3A_142 : i32
        %select_n3A_144 = arith.select %and3A_141, %sub3A_143, %div3A_122 : i32
        %ge3A_145 = arith.constant 1 : i32
        %ge3A_146 = arith.cmpi sge, %select_n3A_144, %ge3A_145 : i32
        %le3A_147 = arith.constant 8 : i32
        %le3A_148 = arith.cmpi sle, %select_n3A_144, %le3A_147 : i32
        %and3A_149 = arith.andi %ge3A_146, %le3A_148 : i1
        %not3A_150 = arith.constant true
        %not3A_151 = arith.xori %and3A_149, %not3A_150 : i1
        %convert_element_type3A_152 = arith.extui %not3A_151 : i1 to i32
        %cond3A_153 = arith.constant 0 : i32
        %cond3A_154 = arith.cmpi ne, %convert_element_type3A_152, %cond3A_153 : i32
        scf.if %cond3A_154 {
          %jit3A_155 = arith.constant 3 : i32
          %eq3A_156 = arith.constant 0 : i32
          %eq3A_157 = arith.cmpi eq, %jit3A_155, %eq3A_156 : i32
          %jit3A_158 = arith.constant 1 : i32
          %select_n3A_159 = arith.select %eq3A_157, %jit3A_158, %jit3A_155 : i32
          %rem3A_160 = arith.remsi %scan3A_18, %select_n3A_159 : i32
          %ne3A_161 = arith.constant 0 : i32
          %ne3A_162 = arith.cmpi ne, %rem3A_160, %ne3A_161 : i32
          %lt3A_163 = arith.constant 0 : i32
          %lt3A_164 = arith.cmpi slt, %rem3A_160, %lt3A_163 : i32
          %lt3A_165 = arith.constant 0 : i32
          %lt3A_166 = arith.cmpi slt, %select_n3A_159, %lt3A_165 : i32
          %ne3A_167 = arith.xori %lt3A_164, %lt3A_166 : i1
          %and3A_168 = arith.andi %ne3A_167, %ne3A_162 : i1
          %add3A_169 = arith.addi %rem3A_160, %select_n3A_159 : i32
          %select_n3A_170 = arith.select %and3A_168, %add3A_169, %rem3A_160 : i32
          %mul3A_171 = arith.constant 32 : i32
          %mul3A_172 = arith.muli %scan3A_18, %mul3A_171 : i32
          %add3A_173 = arith.addi %mul3A_172, %add3A : i32
          %mul3A_174 = arith.constant 240 : i32
          %mul3A_175 = arith.muli %add3A_173, %mul3A_174 : i32
          %dma_start3A = arith.constant 0 : i32
          %dma_start3A_176 = arith.constant 0 : i32
          %dma_start3A_177 = tpu.memref_slice %arg7[%select_n3A_170, %dma_start3A, %dma_start3A_176] : memref<3x240x128xf32, #tpu.memory_space<vmem>> -> memref<1x240x128xf32, #tpu.memory_space<vmem>>
          %dma_start3A_178 = tpu.memref_squeeze %dma_start3A_177 : memref<1x240x128xf32, #tpu.memory_space<vmem>> -> memref<240x128xf32, #tpu.memory_space<vmem>>
          %dma_start3A_179 = arith.constant 0 : i32
          %dma_start3A_180 = tpu.memref_slice %arg5[%mul3A_175, %dma_start3A_179] : memref<462000x128xf32, #tpu.memory_space<hbm>> -> memref<240x128xf32, #tpu.memory_space<hbm>>
          %dma_start3A_181 = arith.constant 0 : i32
          %dma_start3A_182 = tpu.memref_slice %arg5[%mul3A_175, %dma_start3A_181] : memref<462000x128xf32, #tpu.memory_space<hbm>> -> memref<240x128xf32, #tpu.memory_space<hbm>>
          %dma_start3A_183 = arith.constant 0 : i32
          %dma_start3A_184 = arith.constant 0 : i32
          %dma_start3A_185 = tpu.memref_slice %arg7[%select_n3A_170, %dma_start3A_183, %dma_start3A_184] : memref<3x240x128xf32, #tpu.memory_space<vmem>> -> memref<1x240x128xf32, #tpu.memory_space<vmem>>
          %dma_start3A_186 = tpu.memref_squeeze %dma_start3A_185 : memref<1x240x128xf32, #tpu.memory_space<vmem>> -> memref<240x128xf32, #tpu.memory_space<vmem>>
          tpu.enqueue_dma source(%dma_start3A_186 : memref<240x128xf32, #tpu.memory_space<vmem>>) target(%dma_start3A_182 : memref<240x128xf32, #tpu.memory_space<hbm>>) target_semaphore(%arg9 : memref<!tpu.dma_semaphore, #tpu.memory_space<semaphore_mem>>)
        } else {
        }
      } else {
      }
    }
    %scan3A_11 = arith.constant 61 : i32
    %scan3A_12 = arith.constant 0 : i32
    %scan3A_13 = arith.constant 0 : i32
    %scan3A_14 = arith.constant 3 : i32
    %scan3A_15 = arith.addi %scan3A_13, %scan3A_14 : i32
    %scan3A_16 = arith.constant 1 : i32
    scf.for %scan3A_18 = %scan3A_13 to %scan3A_15 step %scan3A_16  : i32 {
      %sub3A = arith.constant 3 : i32
      %sub3A_19 = arith.subi %add3A_4, %sub3A : i32
      %add3A_20 = arith.addi %sub3A_19, %scan3A_18 : i32
      %ge3A = arith.constant 0 : i32
      %ge3A_21 = arith.cmpi sge, %add3A_20, %ge3A : i32
      %convert_element_type3A = arith.extui %ge3A_21 : i1 to i32
      %cond3A = arith.constant 0 : i32
      %cond3A_22 = arith.cmpi ne, %convert_element_type3A, %cond3A : i32
      scf.if %cond3A_22 {
        %jit3A_23 = arith.constant 3 : i32
        %eq3A = arith.constant 0 : i32
        %eq3A_24 = arith.cmpi eq, %jit3A_23, %eq3A : i32
        %jit3A_25 = arith.constant 1 : i32
        %select_n3A_26 = arith.select %eq3A_24, %jit3A_25, %jit3A_23 : i32
        %rem3A = arith.remsi %add3A_20, %select_n3A_26 : i32
        %ne3A = arith.constant 0 : i32
        %ne3A_27 = arith.cmpi ne, %rem3A, %ne3A : i32
        %lt3A_28 = arith.constant 0 : i32
        %lt3A_29 = arith.cmpi slt, %rem3A, %lt3A_28 : i32
        %lt3A_30 = arith.constant 0 : i32
        %lt3A_31 = arith.cmpi slt, %select_n3A_26, %lt3A_30 : i32
        %ne3A_32 = arith.xori %lt3A_29, %lt3A_31 : i1
        %and3A = arith.andi %ne3A_32, %ne3A_27 : i1
        %add3A_33 = arith.addi %rem3A, %select_n3A_26 : i32
        %select_n3A_34 = arith.select %and3A, %add3A_33, %rem3A : i32
        %mul3A_35 = arith.constant 32 : i32
        %mul3A_36 = arith.muli %add3A_20, %mul3A_35 : i32
        %add3A_37 = arith.addi %mul3A_36, %add3A : i32
        %mul3A_38 = arith.constant 240 : i32
        %mul3A_39 = arith.muli %add3A_37, %mul3A_38 : i32
        %dma_wait3A = arith.constant 0 : i32
        %dma_wait3A_40 = arith.constant 0 : i32
        %dma_wait3A_41 = tpu.memref_slice %arg7[%select_n3A_34, %dma_wait3A, %dma_wait3A_40] : memref<3x240x128xf32, #tpu.memory_space<vmem>> -> memref<1x240x128xf32, #tpu.memory_space<vmem>>
        %dma_wait3A_42 = tpu.memref_squeeze %dma_wait3A_41 : memref<1x240x128xf32, #tpu.memory_space<vmem>> -> memref<240x128xf32, #tpu.memory_space<vmem>>
        %dma_wait3A_43 = arith.constant 0 : i32
        %dma_wait3A_44 = tpu.memref_slice %arg5[%mul3A_39, %dma_wait3A_43] : memref<462000x128xf32, #tpu.memory_space<hbm>> -> memref<240x128xf32, #tpu.memory_space<hbm>>
        %dma_wait3A_45 = arith.constant 0 : i32
        %dma_wait3A_46 = tpu.memref_slice %arg5[%mul3A_39, %dma_wait3A_45] : memref<462000x128xf32, #tpu.memory_space<hbm>> -> memref<240x128xf32, #tpu.memory_space<hbm>>
        %dma_wait3A_47 = arith.constant 0 : i32
        %dma_wait3A_48 = arith.constant 0 : i32
        %dma_wait3A_49 = tpu.memref_slice %arg7[%select_n3A_34, %dma_wait3A_47, %dma_wait3A_48] : memref<3x240x128xf32, #tpu.memory_space<vmem>> -> memref<1x240x128xf32, #tpu.memory_space<vmem>>
        %dma_wait3A_50 = tpu.memref_squeeze %dma_wait3A_49 : memref<1x240x128xf32, #tpu.memory_space<vmem>> -> memref<240x128xf32, #tpu.memory_space<vmem>>
        tpu.wait_dma2 semaphore(%arg9 : memref<!tpu.dma_semaphore, #tpu.memory_space<semaphore_mem>>) src(%dma_wait3A_50 : memref<240x128xf32, #tpu.memory_space<vmem>>) dst(%dma_wait3A_46 : memref<240x128xf32, #tpu.memory_space<hbm>>)
      } else {
      }
    }
    %scan3A_17 = arith.constant 3 : i32
    return
  }
}

</mosaic_0001>

<sc_bundles>
// kernel: kernel.3.cloned.1.call-start
scs
__scs_entry_jumppad:
0x0: {  	(pc) =	sbr.rel $0x88, $3  }
0x1: {  	(tag) =	ssettag $0x0;
	lr =	simm.s32 $0x1  }
0x2: {  	[smem:$0x3F9E] =	sst lr;
	_ =	strace $0xD0000000  }
0x3: {  	_ = 	snop  }
0x4: {  	_ = 	snop  }
0x5: {  	_ = 	snop  }
0x6: {  	_ = 	snop  }
0x7: {  	_ = 	snop  }
__scs_overlays_trampoline_lowered:
0x8: {  	[smem:$0x3FAD] =	sst s0  }
0x9: {  	[smem:$0x3FAE] =	sst s1  }
0xa: {  	[smem:$0x3FAF] =	sst s2  }
0xb: {  	[smem:$0x3FB0] =	sst s3  }
0xc: {  	[smem:$0x3FB1] =	sst s4  }
0xd: {  	[smem:$0x3FB2] =	sst s5  }
0xe: {  	[smem:$0x3FB3] =	sst s6  }
0xf: {  	[smem:$0x3FB4] =	sst s7  }
0x10: {  	[smem:$0x3FB5] =	sst s8  }
0x11: {  	[smem:$0x3FB6] =	sst s9;
	s0 =	simm.s32 @!p0 $0x0  }
0x12: {  	s1 =	sld [smem:$0x3F9C];
	s0 =	simm.s32 @p0 $0x1  }
0x13: {  	[smem:$0x3FB7] =	sst s0;
	s0 =	simm.s32 @!p1 $0x0  }
0x14: {  	s2 =	sld [smem:$0x3F9B];
	s0 =	simm.s32 @p1 $0x1  }
0x15: {  	[smem:$0x3FB8] =	sst s0;
	s0 =	simm.s32 @!p2 $0x0  }
0x16: {  	s3 =	sld [smem:$0x3FDB];
	s0 =	simm.s32 @p2 $0x1  }
0x17: {  	s4 =	simm.s32 $0x1BF5;
	[smem:$0x3FBA] =	sst s0  }
0x18: {  	s0 =	sld [smem:$0x3F9D];
	_ =	swait.ge [sflag:s4], $0x0  }
0x19: {  	s7 =	sld [smem:$0x3F9E]  }
0x1a: {  	s8 =	sadd.s32 $0xFFFFE003, lr  }
0x1b: {  	s9 =	sadd.s32 $0xFFFFFEF7, lr;
	s5 =	simm.s32 $0xFFFFFFFF;
	p2 =	slt.u32 s8, $0xFFFFF086  }
0x1c: {  	p1 =	slt.u32 s9, $0xF7A;
	s5 =	simm.s32 @!p2 $0x0  }
0x1d: {  	s5 =	simm.s32 @p1 $0x1;
	p0 =	seq.s32 s7, s2  }
0x1e: {  	s7 =	smul.u32 @!p0 $0xF7A, s2;
	p2 =	seq.s32 @!p0 s5, $0x0  }
0x1f: {  	s9 =	smul.u32 $0xF7A, s1;
	s8 =	simm.s32 @!p0 $0x1BF5;
	p2 =	por !p2, p0  }
0x20: {  	[sflag:s8] =	ssyncset.s32 @!p0 $0xFFFFF086;
	s6 =	sadd.s32 @!p0 s3, s7;
	s7 =	simm.s32 @!p0 $0x108  }
0x21: {  	s3 =	sadd.s32 s3, s9;
	s6 =	sadd.s32 @!p0 $0x88, s6;
	s7 =	simm.s32 @p2 $0x1082  }
0x22: {  	[simem:s7], [sflag:s8] =	dma.local @!p0 [hbm:s6], $0xF7A  }
0x23: {  	s9 =	sor.u32 $0xD0000000, s2;
	s6 =	simm.s32 $0x108;
	_ =	swait.ge @!p0 [sflag:s8], $0x0  }
0x24: {  	s3 =	sadd.s32 $0x88, s3;
	s6 =	simm.s32 @!p1 $0x1082;
	[sflag:s4] =	ssyncset.s32 $0xFFFFF086  }
0x25: {  	[simem:s6], [sflag:s4] =	dma.local [hbm:s3], $0xF7A  }
0x26: {  	[smem:$0x3F9E] =	sst s1;
	(tag) =	ssettag s2;
	_ =	strace s9  }
0x27: {  	s1 =	sld [smem:$0x3FAE]  }
0x28: {  	s2 =	sld [smem:$0x3FAF]  }
0x29: {  	s4 =	sld [smem:$0x3FB1]  }
0x2a: {  	p0 =	seq.s32 s5, $0x0;
	s5 =	sld [smem:$0x3FB2]  }
0x2b: {  	s6 =	sld [smem:$0x3FB3]  }
0x2c: {  	s7 =	sld [smem:$0x3FB4]  }
0x2d: {  	s3 =	simm.s32 $0x108;
	s8 =	sld [smem:$0x3FB5]  }
0x2e: {  	s3 =	simm.s32 @!p0 $0x1082;
	s9 =	sld [smem:$0x3FB6]  }
0x2f: {  	lr =	sadd.s32 s0, s3;
	s0 =	sld [smem:$0x3FAD]  }
0x30: {  	s3 =	sld [smem:$0x3FB0]  }
0x31: {  	[smem:$0x3FB9] =	sst s10  }
0x32: {  	s10 =	sld [smem:$0x3FB7];
	_ =	sdelay $0x3  }
0x33: {  	p0 =	seq.s32 s10, $0x1;
	s10 =	sld [smem:$0x3FB9];
	_ =	sdelay $0x3  }
0x34: {  	[smem:$0x3FB9] =	sst s10  }
0x35: {  	s10 =	sld [smem:$0x3FB8];
	_ =	sdelay $0x3  }
0x36: {  	p1 =	seq.s32 s10, $0x1;
	s10 =	sld [smem:$0x3FB9];
	_ =	sdelay $0x3  }
0x37: {  	[smem:$0x3FB9] =	sst s10  }
0x38: {  	s10 =	sld [smem:$0x3FBA]  }
0x39: {  	_ = 	snop;
	(pc) =	sbr.ind lr, $3  }
0x3a: {  	_ = 	snop  }
0x3b: {  	_ = 	snop  }
0x3c: {  	p2 =	seq.s32 s10, $0x1;
	s10 =	sld [smem:$0x3FB9]  }
0x3d: {  	_ =	shalt  }
0x3e: {  	_ =	shalt  }
0x3f: {  	_ =	shalt  }
0x40: {  	_ =	shalt  }
0x41: {  	_ =	shalt  }
0x42: {  	_ =	shalt  }
0x43: {  	_ =	shalt  }
0x44: {  	_ =	shalt  }
0x45: {  	_ =	shalt  }
0x46: {  	_ =	shalt  }
0x47: {  	_ =	shalt  }
0x48: {  	_ =	shalt  }
0x49: {  	_ =	shalt  }
0x4a: {  	_ =	shalt  }
0x4b: {  	_ =	shalt  }
0x4c: {  	_ =	shalt  }
0x4d: {  	_ =	shalt  }
0x4e: {  	_ =	shalt  }
0x4f: {  	_ =	shalt  }
0x50: {  	_ =	shalt  }
0x51: {  	_ =	shalt  }
0x52: {  	_ =	shalt  }
0x53: {  	_ =	shalt  }
0x54: {  	_ =	shalt  }
0x55: {  	_ =	shalt  }
0x56: {  	_ =	shalt  }
0x57: {  	_ =	shalt  }
0x58: {  	_ =	shalt  }
0x59: {  	_ =	shalt  }
0x5a: {  	_ =	shalt  }
0x5b: {  	_ =	shalt  }
0x5c: {  	_ =	shalt  }
0x5d: {  	_ =	shalt  }
0x5e: {  	_ =	shalt  }
0x5f: {  	_ =	shalt  }
0x60: {  	_ =	shalt  }
0x61: {  	_ =	shalt  }
0x62: {  	_ =	shalt  }
0x63: {  	_ =	shalt  }
0x64: {  	_ =	shalt  }
0x65: {  	_ =	shalt  }
0x66: {  	_ =	shalt  }
0x67: {  	_ =	shalt  }
0x68: {  	_ =	shalt  }
0x69: {  	_ =	shalt  }
0x6a: {  	_ =	shalt  }
0x6b: {  	_ =	shalt  }
0x6c: {  	_ =	shalt  }
0x6d: {  	_ =	shalt  }
0x6e: {  	_ =	shalt  }
0x6f: {  	_ =	shalt  }
0x70: {  	_ =	shalt  }
0x71: {  	_ =	shalt  }
0x72: {  	_ =	shalt  }
0x73: {  	_ =	shalt  }
0x74: {  	_ =	shalt  }
0x75: {  	_ =	shalt  }
0x76: {  	_ =	shalt  }
0x77: {  	_ =	shalt  }
0x78: {  	_ =	shalt  }
0x79: {  	_ =	shalt  }
0x7a: {  	_ =	shalt  }
0x7b: {  	_ =	shalt  }
0x7c: {  	_ =	shalt  }
0x7d: {  	_ =	shalt  }
0x7e: {  	_ =	shalt  }
0x7f: {  	_ =	shalt  }
0x80: {  	_ =	shalt  }
0x81: {  	_ =	shalt  }
0x82: {  	_ =	shalt  }
0x83: {  	_ =	shalt  }
0x84: {  	_ =	shalt  }
0x85: {  	_ =	shalt  }
0x86: {  	_ =	shalt  }
0x87: {  	_ =	shalt  }
.Lfunc_end0:
.L_simem_size_0:
called_computation_lowered:
.L_overlay_start_0:
0x88: {  	s2 =	sld [smem:$0x3FD9]  }
0x89: {  	s3 =	sld [smem:$0x3FFE];
	_ =	sdelay $0x1  }
0x8a: {  	s1 =	srdreg.scid  }
0x8b: {  	s0 =	sand.u32 $0x1, s1  }
0x8c: {  	s17 =	sshll.u32 s0, $0xA;
	s2 =	sadd.s32 s3, s2  }
0x8d: {  	s2 =	sadd.s32 s2, s17  }
0x8e: {  	[smem:$0x3FC5] =	sst s2  }
0x8f: {  	_ = 	snop  }
0x90: {  	s2 =	sld [smem:$0x3FC9]  }
0x91: {  	s18 =	sld [smem:$0x3FC8]  }
0x92: {  	s4 =	sld [smem:$0x3FD0];
	(tm) =	ssettm $0x1  }
0x93: {  	s5 =	sld [smem:$0x3FFB];
	_ =	sdelay $0x3  }
0x94: {  	_ =	strace s5  }
0x95: {  	s5 =	sld [smem:$0x3FFC];
	_ =	sdelay $0x3  }
0x96: {  	_ =	strace s5  }
0x97: {  	s5 =	sld [smem:$0x3FFD];
	_ =	sdelay $0x3  }
0x98: {  	_ =	strace s5  }
0x99: {  	_ =	strace $0x8FFFFFFF  }
0x9a: {  	s19 =	sld [smem:$0x3FDB];
	_ =	sdelay $0x1  }
0x9b: {  	s6 =	simm.s32 $_scs_section_size  }
0x9c: {  	s7 =	simm.s32 $_size__tile_overlayer_lowered;
	s8 =	simm.s32 $_tile_overlayer_lowered  }
0x9d: {  	s22 =	simm.s32 $0x1BFF;
	s21 =	sshll.u32 s8, $0x1;
	s5 =	sadd.s32 s6, s19  }
0x9e: {  	s9 =	simm.s32 $0x0;
	s20 =	sshll.u32 s7, $0x1;
	s7 =	sadd.s32 s21, s5  }
0x9f: {  	[timem:s9], [sflag:s22] =	dma.local [hbm:s7], s20  }
0xa0: {  	_ =	swait.ge [sflag:s22], s20  }
0xa1: {  	s6 =	ssub.s32 $0x0, s20;
	[sflag:s22] =	ssyncset.done $0x0  }
0xa2: {  	[sflag:s22] =	ssyncadd.s32 s6;
	_ =	sdelay $0x1  }
0xa3: {  	s23 =	simm.s32 $0x1B8B  }
0xa4: {  	_ =	swait.ge [sflag:s23], $0x1  }
0xa5: {  	[sflag:s23] =	ssyncset.done $0x0  }
0xa6: {  	s25 =	simm.s32 $0x1B8E;
	s24 =	sld [smem:$0x3FFE];
	[sflag:s23] =	ssyncadd.s32 $0xFFFFFFFF  }
0xa7: {  	s26 =	simm.s32 $execute0_lowered;
	[smem:$0x3FD2] =	sst s25  }
0xa8: {  	s7 =	sshll.u32 s26, $0x1;
	_ =	strace $0x80000046;
	[dreg:$0x1] =	wrdreg $0xFFFFFFFF  }
0xa9: {  	s28 =	simm.s32 $_size_execute0_lowered;
	s5 =	sadd.s32 s5, s7;
	[dreg:$0x0] =	wrdreg $0x0  }
0xaa: {  	s7 =	sshll.u32 s28, $0x1;
	[dreg:$0x2] =	wrdreg s5  }
0xab: {  	[dreg:$0x3] =	wrdreg s7  }
0xac: {  	[dreg:$0x4] =	wrdreg $0xC0  }
0xad: {  	_ =	task [dreg:s9], $0x5FFFF  }
0xae: {  	[dreg:$0x1] =	wrdreg $0xFFFFFFFF  }
0xaf: {  	[dreg:$0x0] =	wrdreg $0x60  }
0xb0: {  	[dreg:$0x2] =	wrdreg s2  }
0xb1: {  	[dreg:$0x3] =	wrdreg s18  }
0xb2: {  	[dreg:$0x4] =	wrdreg s24  }
0xb3: {  	[dreg:$0x5] =	wrdreg s4  }
0xb4: {  	[dreg:$0x6] =	wrdreg $0x9  }
0xb5: {  	_ =	task.clear_ibuf [dreg:s9], $0x7FFFF;
	_ =	strace $0x90000046  }
0xb6: {  	s29 =	simm.s32 $0x9;
	_ =	strace $0x80000048  }
0xb7: {  	_ =	swait.ge [sflag:s29], $0x1  }
0xb8: {  	[sflag:s29] =	ssyncadd.s32 $0xFFFFFFFF  }
0xb9: {  	_ =	strace $0x90000048  }
0xba: {  	_ =	sfence  }
0xbb: {  	s30 =	sld [smem:$0x0];
	_ =	sdelay $0x2  }
0xbc: {  	s31 =	sshll.u32 s1, $0xD;
	s1 =	sshrl.u32 s1, $0x2  }
0xbd: {  	s3 =	sand.u32 $0x4000, s31;
	s1 =	sadd.s32 s1, s30  }
0xbe: {  	s0 =	sor.u32 s3, s0;
	s1 =	sshll.u32 s1, $0x11  }
0xbf: {  	s0 =	sor.u32 s1, s0  }
0xc0: {  	s0 =	sadd.s32 $0x8F2B, s0  }
0xc1: {  	[sflag:s0] =	ssyncadd.remote.s32 $0x1  }
0xc2: {  	_ =	sfence.sel $0xFFFF  }
0xc3: {  	[dreg:$0x0] =	wrdreg $0xFFFFFFFF;
	(pc) =	sbr.abs _section_cstart, $3  }
0xc4: {  	[dreg:$0x1] =	wrdreg $0xFFFFFFFF  }
0xc5: {  	_ =	task.clear_ibuf [dreg:s9], $0x2FFFF;
	_ =	strace $0x9FFFFFFF  }
0xc6: {  	(tm) =	ssettm $0x7FFFFFFF  }
0xc7: {  	_ =	shalt  }
tec
execute0_lowered:
.L_overlay_start_1:
0x0: {  	(tag) =	ssettag $0x1  }
0x1: {  	s1 =	rddreg [dreg:$0x0]  }
0x2: {  	s2 =	rddreg [dreg:$0x1]  }
0x3: {  	s3 =	srdreg.scid;
	s6 =	rddreg [dreg:$0x2]  }
0x4: {  	s0 =	stileid.u32;
	s13 =	rddreg [dreg:$0x3];
	s5 =	simm.s32 $0x0  }
0x5: {  	s16 =	simm.s32 $0x0;
	s7 =	sand.u32 $0x1, s3;
	s10 =	smul.u32 $0xF000, s0  }
0x6: {  	s26 =	sshll.u32 s0, $0x1;
	s3 =	rddreg [dreg:$0x4];
	s28 =	smul.u32 $0x1E00, s0  }
0x7: {  	[smem:$0x7FF] =	sst s5;
	s4 =	sor.u32 s7, s26;
	s12 =	smul.u32 $0x7800, s7  }
0x8: {  	s9 =	ssub.s32 $0x2, s7;
	_ =	strace $0x80000047;
	s29 =	smul.u32 $0xF00, s7  }
0x9: {  	s8 =	smul.u32 $0x726, s4;
	s11 =	sshrl.u32 s9, $0x1;
	p0 =	slt.u32 s4, $0x5  }
0xa: {  	s9 =	ssub.s32 s9, s11;
	s12 =	sadd.s32 s12, s10;
	s11 =	sadd.s32 s28, s13  }
0xb: {  	s8 =	sadd.s32 s8, s6;
	s6 =	simm.s32 $0x3D;
	s14 =	sadd.s32 $0x6000, s12  }
0xc: {  	s30 =	sadd.s32 $0x4800, s12;
	s31 =	sadd.s32 $0x3000, s12;
	s12 =	sadd.s32 $0x1800, s12  }
.Ltmp0:
0xd: {  	s6 =	simm.s32 @!p0 $0x3C;
	s7 =	sadd.s32 $0x400, s8;
	(pc) =	sbr.rel .LBB2_1-.Ltmp0, $4  }
0xe: {  	s14 =	sshrl.u32 s14, $0x3;
	s8 =	smax.u32 s9, $0x1;
	s9 =	sadd.s32 s29, s11  }
0xf: {  	s11 =	sshrl.u32 s30, $0x3;
	s10 =	sadd.s32 s14, s13;
	s14 =	sshrl.u32 s31, $0x3  }
0x10: {  	s15 =	sshrl.u32 s12, $0x3;
	s11 =	sadd.s32 s11, s13;
	s12 =	sadd.s32 s14, s13  }
0x11: {  	s13 =	sadd.s32 s15, s13;
	s14 =	simm.s32 $0x3;
	s15 =	simm.s32 $0x2  }
.LBB2_5:
0x12: {  	_ =	swait.ge [sflag:s15], $0x7800  }
0x13: {  	[sflag:s15] =	ssyncset.done $0x0  }
0x14: {  	s16 =	sadd.s32 $0x1, s16;
	[sflag:s15] =	ssyncadd.s32 $0xFFFF8800  }
0x15: {  	p0 =	sne.s32 s16, s8;
	_ =	swait.ge [sflag:s15], $0x7800  }
.Ltmp1:
0x16: {  	[sflag:s15] =	ssyncset.done $0x0;
	(pc) =	sbr.rel @!p0 .LBB2_6-.Ltmp1, $4  }
0x17: {  	[sflag:s15] =	ssyncadd.s32 $0xFFFF8800  }
0x18: {  	_ =	swait.ge [sflag:s15], $0x7800  }
0x19: {  	[sflag:s15] =	ssyncset.done $0x0  }
0x1a: {  	[sflag:s15] =	ssyncadd.s32 $0xFFFF8800  }
.LBB2_1:
.Ltmp2:
0x1b: {  	(pc) =	sbr.rel .LBB2_2-.Ltmp2, $4  }
0x1c: {  	[tilespmem:s5], [sflag:$0x3] =	stream.linear.gather [hbm4b:s7+s5], $0x3930, $0x38;
	[tilespmem:$0x1A130] =	vst v63  }
0x1d: {  	_ =	swait.ge [sflag:s14], $0x3930  }
0x1e: {  	s17 =	simm.s32 $0x1E0;
	s18 =	smov.u32 s4;
	[sflag:s14] =	ssyncset.done $0x0  }
0x1f: {  	s19 =	simm.s32 $0x0;
	s20 =	simm.s32 $0x0;
	[sflag:s14] =	ssyncadd.s32 $0xFFFFC6D0  }
.LBB2_4:
0x20: {  	s19 =	sadd.s32 $0x1E000, s19  }
0x21: {  	p0 =	sne.s32 s19, $0x726000  }
.Ltmp3:
0x22: {  	_ = 	snop;
	(pc) =	sbr.rel @!p0 .LBB2_5-.Ltmp3, $2  }
0x23: {  	_ =	sdelay $0x2  }
0x24: {  	s20 =	sadd.s32 $0x1, s20;
	s18 =	sadd.s32 $0x20, s18;
	s17 =	sadd.s32 $0xF0, s17  }
.LBB2_2:
0x25: {  	p0 =	sge.u32 s20, s6  }
.Ltmp4:
0x26: {  	_ = 	snop;
	(pc) =	sbr.rel @p0 .LBB2_4-.Ltmp4, $1  }
0x27: {  	_ =	sdelay $0x3  }
0x28: {  	p0 =	sne.s32 s19, $0x0  }
0x29: {  	p1 =	slt.u32 @!p0 s4, $0x19  }
0x2a: {  	s24 =	smulhi.u32 $0x51EB851F, s18;
	p2 =	por !p1, p0  }
0x2b: {  	s21 =	simm.s32 @!p2 $0x78;
	s22 =	simm.s32 @!p2 $0x0;
	s23 =	simm.s32 @!p2 $0x3930  }
0x2c: {  	[tilespmem:s23], [sflag:$0x1] =	stream.indirect.gather @!p2 [hbm4b:s1+s21], $0x80, s22, s21, $0xb8;
	[tilespmem:$0x1A130] =	vst v63  }
0x2d: {  	p1 =	por p1, p0;
	s28 =	sshrl.u32 s24, $0x3;
	s22 =	simm.s32 @!p2 $0x7530  }
0x2e: {  	[tilespmem:s22], [sflag:$0x1] =	stream.indirect.gather @!p2 [hbm4b:s1+s21], $0x80, s21, s21, $0xb8;
	[tilespmem:$0x1A130] =	vst v63  }
0x2f: {  	s23 =	simm.s32 @!p1 $0x3930;
	s21 =	simm.s32 @!p1 $0x30;
	s22 =	simm.s32 @!p1 $0x0  }
0x30: {  	[tilespmem:s23], [sflag:$0x1] =	stream.indirect.gather @!p1 [hbm4b:s2+s21], $0x80, s22, s21, $0xb8;
	[tilespmem:$0x1A130] =	vst v63  }
0x31: {  	s21 =	simm.s32 @!p0 $0x30;
	s22 =	simm.s32 @!p0 $0xF0;
	s23 =	simm.s32 @!p0 $0xB130  }
0x32: {  	[tilespmem:s23], [sflag:$0x1] =	stream.indirect.gather @!p0 [hbm4b:s2+s21], $0x80, s22, s21, $0xb8;
	[tilespmem:$0x1A130] =	vst v63  }
0x33: {  	s21 =	sadd.s32 $0xFFFFFFF7, s28  }
0x34: {  	p0 =	slt.u32 s21, $0xFFFFFFF8  }
0x35: {  	s21 =	simm.s32 @p0 $0x1  }
0x36: {  	s29 =	smul.u32 $0xAB, s20;
	s22 =	sadd.s32 $0x2, s20;
	_ =	swait.ge @p0 [sflag:s21], $0x3C00  }
0x37: {  	p1 =	sge.u32 s22, s6;
	[sflag:s21] =	ssyncset.done @p0 $0x0  }
0x38: {  	s23 =	sshrl.u32 s29, $0x9;
	s24 =	smul.u32 @!p1 $0xAB, s22;
	[sflag:s21] =	ssyncadd.s32 @p0 $0xFFFFC400  }
0x39: {  	s23 =	sand.u32 $0x7F, s23;
	s25 =	sadd.s32 @!p1 $0x40, s18;
	_ =	swait.ge @p0 [sflag:s21], $0x3C00  }
0x3a: {  	s30 =	smul.u32 $0x3, s23;
	s24 =	sshrl.u32 @!p1 s24, $0x9;
	[sflag:s21] =	ssyncset.done @p0 $0x0  }
0x3b: {  	s24 =	sand.u32 @!p1 $0x7F, s24;
	[sflag:s21] =	ssyncadd.s32 @p0 $0xFFFFC400;
	s21 =	simm.s32 @!p0 $0x1  }
0x3c: {  	p2 =	seq.s32 @!p1 s19, $0x0;
	s24 =	smul.u32 @!p1 $0x3, s24;
	_ =	swait.ge @!p0 [sflag:s21], $0x1800  }
0x3d: {  	s25 =	smulhi.u32 @!p1 $0x51EB851F, s25;
	p2 =	por p2, p1;
	[sflag:s21] =	ssyncset.done @!p0 $0x0  }
0x3e: {  	[sflag:s21] =	ssyncadd.s32 @!p0 $0xFFFFE800;
	s21 =	ssub.s32 @!p1 s22, s24;
	s22 =	simm.s32 @!p2 $0x2  }
0x3f: {  	s24 =	sshrl.u32 @!p1 s25, $0x3;
	s21 =	sand.u32 @!p1 $0xFF, s21;
	_ =	swait.ge @!p2 [sflag:s22], $0x7800  }
0x40: {  	s24 =	sadd.s32 @!p1 $0xFFFFFFF7, s24;
	s21 =	smul.u32 @!p1 $0x1E000, s21;
	[sflag:s22] =	ssyncset.done @!p2 $0x0  }
0x41: {  	p3 =	slt.u32 @!p1 s24, $0xFFFFFFF8;
	[sflag:s22] =	ssyncadd.s32 @!p2 $0xFFFF8800  }
0x42: {  	p2 =	por !p3, p1;
	s22 =	ssub.s32 s20, s30;
	s21 =	sshrl.u32 @!p1 s21, $0x2  }
0x43: {  	s24 =	simm.s32 @!p2 $0x78;
	s25 =	sadd.s32 @!p2 $0x78, s17;
	s23 =	sadd.s32 @!p1 $0x3930, s21  }
0x44: {  	[tilespmem:s23], [sflag:$0x1] =	stream.indirect.gather @!p2 [hbm4b:s1+s24], $0x80, s17, s24, $0xb8;
	[tilespmem:$0x1A130] =	vst v63  }
0x45: {  	s31 =	sand.u32 $0xFF, s22;
	s21 =	sadd.s32 @!p2 $0x7530, s21;
	p1 =	por p3, p1  }
0x46: {  	[tilespmem:s21], [sflag:$0x1] =	stream.indirect.gather @!p2 [hbm4b:s1+s24], $0x80, s25, s24, $0xb8;
	[tilespmem:$0x1A130] =	vst v63  }
0x47: {  	s22 =	simm.s32 @!p1 $0x30;
	s21 =	smul.u32 $0x1E000, s31  }
0x48: {  	[tilespmem:s23], [sflag:$0x1] =	stream.indirect.gather @!p1 [hbm4b:s2+s22], $0x80, s17, s22, $0xb8;
	[tilespmem:$0x1A130] =	vst v63  }
0x49: {  	s21 =	sshrl.u32 s21, $0x2  }
0x4a: {  	s22 =	sadd.s32 s19, s9;
	s23 =	simm.s32 @p0 $0x0;
	s21 =	sadd.s32 $0x3930, s21  }
0x4b: {  	[hbm4b:s22+s23] =	stream.linear.scatter @p0 [tilespmem:s21], [sflag:$0x2], $0x7800, $0x38;
	[tilespmem:$0x1A130] =	vst v63  }
0x4c: {  	s23 =	simm.s32 @!p0 $0x0  }
0x4d: {  	[hbm4b:s22+s23] =	stream.linear.scatter @!p0 [tilespmem:s21], [sflag:$0x2], $0x1800, $0x38;
	[tilespmem:$0x1A130] =	vst v63  }
0x4e: {  	s22 =	sadd.s32 @!p0 s19, s13  }
0x4f: {  	[hbm4b:s22+s23] =	stream.linear.scatter @!p0 [tilespmem:s21], [sflag:$0x2], $0x1800, $0x38;
	[tilespmem:$0x1A130] =	vst v63  }
0x50: {  	s22 =	sadd.s32 @!p0 s19, s12  }
0x51: {  	[hbm4b:s22+s23] =	stream.linear.scatter @!p0 [tilespmem:s21], [sflag:$0x2], $0x1800, $0x38;
	[tilespmem:$0x1A130] =	vst v63  }
.Ltmp5:
0x52: {  	_ = 	snop;
	(pc) =	sbr.rel .LBB2_4-.Ltmp5, $4  }
0x53: {  	s22 =	sadd.s32 @!p0 s19, s11  }
0x54: {  	[hbm4b:s22+s23] =	stream.linear.scatter @!p0 [tilespmem:s21], [sflag:$0x2], $0x1800, $0x38;
	[tilespmem:$0x1A130] =	vst v63  }
0x55: {  	s22 =	sadd.s32 @!p0 s19, s10  }
0x56: {  	[hbm4b:s22+s23] =	stream.linear.scatter @!p0 [tilespmem:s21], [sflag:$0x2], $0x1800, $0x38;
	[tilespmem:$0x1A130] =	vst v63  }
.LBB2_6:
0x57: {  	_ =	sfence.sel $0x180000  }
0x58: {  	[bflag:$0x0] =	sbarrier.arrive $0xFFFF  }
0x59: {  	p0 =	sne.s32 s0, $0x0;
	_ =	strace $0x90000047  }
0x5a: {  	s0 =	sadd.s32 @!p0 $0x100000, s3;
	[bflag:$0x2] =	sbarrier.arrive $0xFFFF  }
0x5b: {  	[sflag:s0] =	ssyncadd.tile.s32 @!p0 $0x1;
	_ =	shalt  }
.Lfunc_end2:
_tile_overlayer_lowered:
.L_overlay_start_2:
0x5c: {  	(tag) =	ssettag $0x2  }
0x5d: {  	s0 =	rddreg [dreg:$0x0];
	s2 =	stileid.u32  }
0x5e: {  	s1 =	rddreg [dreg:$0x1];
	p0 =	sne.s32 s2, $0x0  }
0x5f: {  	s3 =	rddreg [dreg:$0x2];
	[bflag:$0x3] =	sbarrier.arrive $0xFFFF;
	s2 =	simm.s32 @!p0 $0x1C03  }
0x60: {  	[timem:s3], [sflag:s2] =	dma.local @!p0 [hbm:s0], s1  }
0x61: {  	s0 =	simm.s32 @!p0 $0x3  }
0x62: {  	_ =	swait.ge @!p0 [sflag:s0], s1  }
0x63: {  	s1 =	ssub.s32 @!p0 $0x0, s1;
	[sflag:s0] =	ssyncset.done @!p0 $0x0  }
0x64: {  	[sflag:s0] =	ssyncadd.s32 @!p0 s1  }
0x65: {  	[bflag:$0x3] =	sbarrier.arrive $0xFFFF  }
0x66: {  	_ =	shalt  }

</sc_bundles>
